<compile_context>
chip_gen: v7x
topology: tpu7x:2x2x1
jax: 0.10.2.dev20260603
libtpu: 0.0.44.dev20260713+nightly
codegen_flags: <defaults>
</compile_context>

<pallas_src>
import functools

import numpy as np
import jax
import jax.numpy as jnp
from jax import lax
from jax.experimental import pallas as pl
from jax.experimental.pallas import tpu as pltpu
from jax.experimental.pallas import tpu_sc as plsc

N = 10000
E = 320000
DF = 128
H = 64
T = 4

NC = 2
NS = 16
NW = NC * NS
EPT = E // NW
C = 96
CH = EPT // C
CT = EPT - CH * C
NA = 10240
RPT = NA // NS

_EPS = 1e-5
_ZEROS = np.zeros((NA, H), np.float32)


def _bn_relu(y, g, b):
    mean = jnp.mean(y, axis=0, keepdims=True)
    var = jnp.mean((y - mean) ** 2, axis=0, keepdims=True)
    return jnp.maximum((y - mean) / jnp.sqrt(var + _EPS) * g + b, 0.0)


def _head_body(x_ref, w_ref, b_ref, g_ref, be_ref, out_ref):
    y = jnp.dot(x_ref[...], w_ref[...], preferred_element_type=jnp.float32)
    h = _bn_relu(y + b_ref[...], g_ref[...], be_ref[...])
    out_ref[...] = jnp.concatenate(
        [h, jnp.zeros((NA - N, H), jnp.float32)], axis=0)


def _tail_body(h_ref, p_ref, gw_ref, gb_ref, gg_ref, gbe_ref,
               lw_ref, lb_ref, tw_ref, tb_ref, out_ref):
    z = h_ref[0:N, :] + p_ref[0:N, 0:H] + p_ref[0:N, H:2 * H]
    y = jnp.dot(z, gw_ref[...], preferred_element_type=jnp.float32)
    h2 = _bn_relu(y + gb_ref[...], gg_ref[...], gbe_ref[...])
    w2 = jnp.dot(lw_ref[...], tw_ref[...], preferred_element_type=jnp.float32)
    b2 = jnp.dot(lb_ref[...], tw_ref[...],
                 preferred_element_type=jnp.float32) + tb_ref[...]
    out_ref[...] = jnp.dot(h2, w2, preferred_element_type=jnp.float32) + b2


LCH = (CH // 4) * 4


def _seg_sum_body(h_hbm, ei_hbm, zeros_hbm, out_hbm,
                  src_v, dst_v, rows0, rows1, rows2, rows3, rows_t,
                  aggr_s, h_s,
                  sg0, sg1, sg2, sg3, ss0, ss1, ss2, ss3):
    cid = lax.axis_index("c")
    sid = lax.axis_index("s")
    wid = cid * NS + sid
    base = wid * EPT
    sg = (sg0, sg1, sg2, sg3)
    ss = (ss0, ss1, ss2, ss3)
    rows = (rows0, rows1, rows2, rows3)
    gsrc = (h_s, h_s, h_s, h_s)

    def gather_desc(c, b):
        return pltpu.make_async_copy(
            gsrc[b].at[src_v.at[pl.ds(c * C, C)]], rows[b], sg[b])

    def scatter_desc(c, b):
        return pltpu.make_async_copy(
            rows[b], aggr_s.at[dst_v.at[pl.ds(c * C, C)]], ss[b])

    def scatter_start(c, b):
        pltpu.async_copy(rows[b], aggr_s.at[dst_v.at[pl.ds(c * C, C)]],
                         ss[b], add=True)

    pltpu.sync_copy(zeros_hbm.at[pl.ds(sid * RPT, RPT)],
                    aggr_s.at[pl.ds(sid * RPT, RPT)])
    pltpu.sync_copy(h_hbm.at[pl.ds(sid * RPT, RPT)],
                    h_s.at[pl.ds(sid * RPT, RPT)])
    pltpu.sync_copy(ei_hbm.at[pl.ds(base, EPT)], src_v)
    pltpu.sync_copy(ei_hbm.at[pl.ds(E + base, EPT)], dst_v)
    plsc.subcore_barrier()
    gather_desc(0, 0).start()
    gather_desc(1, 1).start()

    @pl.loop(0, LCH, step=4)
    def _(j):
        for b in range(4):
            c = j + b

            @pl.when(c >= 2)
            def _():
                scatter_desc(c - 2, (b + 2) % 4).wait()

            @pl.when(c + 2 < CH)
            def _():
                gather_desc(c + 2, (b + 2) % 4).start()

            gather_desc(c, b).wait()
            scatter_start(c, b)

    for c in range(LCH, CH):
        scatter_desc(c - 2, (c - 2) % 4).wait()
        gather_desc(c, c % 4).wait()
        scatter_start(c, c % 4)
    for c in range(CH - 2, CH):
        scatter_desc(c, c % 4).wait()
    pltpu.async_copy(h_s.at[src_v.at[pl.ds(CH * C, CT)]], rows_t,
                     sg0).wait()
    pltpu.sync_copy(rows_t, aggr_s.at[dst_v.at[pl.ds(CH * C, CT)]], add=True)

    plsc.subcore_barrier()
    pltpu.sync_copy(aggr_s.at[pl.ds(sid * RPT, RPT)],
                    out_hbm.at[pl.ds(sid * RPT, RPT), pl.ds(cid * H, H)])


_seg_sum = functools.partial(
    pl.kernel,
    out_type=jax.ShapeDtypeStruct((NA, NC * H), jnp.float32),
    mesh=plsc.VectorSubcoreMesh(core_axis_name="c", subcore_axis_name="s"),
    scratch_types=[
        pltpu.VMEM((EPT,), jnp.int32),
        pltpu.VMEM((EPT,), jnp.int32),
        pltpu.VMEM((C, H), jnp.float32),
        pltpu.VMEM((C, H), jnp.float32),
        pltpu.VMEM((C, H), jnp.float32),
        pltpu.VMEM((C, H), jnp.float32),
        pltpu.VMEM((CT, H), jnp.float32),
        pltpu.VMEM_SHARED((NA, H), jnp.float32),
        pltpu.VMEM_SHARED((NA, H), jnp.float32),
        pltpu.SemaphoreType.DMA,
        pltpu.SemaphoreType.DMA,
        pltpu.SemaphoreType.DMA,
        pltpu.SemaphoreType.DMA,
        pltpu.SemaphoreType.DMA,
        pltpu.SemaphoreType.DMA,
        pltpu.SemaphoreType.DMA,
        pltpu.SemaphoreType.DMA,
    ],
    compiler_params=pltpu.CompilerParams(use_tc_tiling_on_sc=False),
)(_seg_sum_body)


def kernel(x, edge_index, batch, head_W, head_b, head_g, head_be,
           gin_W, gin_b, gin_g, gin_be, lin_W, lin_b, tail_W, tail_b):
    del batch
    h_pad = pl.pallas_call(
        _head_body,
        out_shape=jax.ShapeDtypeStruct((NA, H), jnp.float32),
    )(x, head_W, head_b.reshape(1, H), head_g.reshape(1, H),
      head_be.reshape(1, H))

    parts = _seg_sum(h_pad, edge_index.reshape(2 * E), _ZEROS)

    out = pl.pallas_call(
        _tail_body,
        out_shape=jax.ShapeDtypeStruct((N, T), jnp.float32),
    )(h_pad, parts, gin_W, gin_b.reshape(1, H), gin_g.reshape(1, H),
      gin_be.reshape(1, H), lin_W, lin_b.reshape(1, H), tail_W,
      tail_b.reshape(1, T))
    return out

# --- scband reference (transcript-rebuilt; emitter-appended) ---
"""Pipeline reference for scband-slide-graph-arch-47347719471112 (READ-ONLY COPY).

The authoritative reference and input builder live on the scoring server;
editing this copy changes nothing except your own understanding.
"""

import jax, jax.numpy as jnp
import numpy as np

N = 10000
E = 320000
DF = 128
H = 64
T = 4


def _bn(h, g, b):
    # BatchNorm1d in training mode: batch statistics, eps=1e-5
    mean = jnp.mean(h, axis=0, keepdims=True)
    var = jnp.var(h, axis=0, keepdims=True)
    return (h - mean) / jnp.sqrt(var + 1e-5) * g + b


def setup_inputs(seed: int = 0) -> dict:
    key = jax.random.key(seed)
    ks = jax.random.split(key, 16)
    x = jax.random.normal(ks[0], (N, DF), dtype=jnp.float32)
    edge_index = jax.random.randint(ks[1], (2, E), 0, N, dtype=jnp.int32)
    batch = jnp.zeros((N,), dtype=jnp.int32)
    # head: Linear(DF,H) + BN(H) + ReLU
    head_W = jax.random.normal(ks[2], (DF, H), dtype=jnp.float32) / np.sqrt(DF)
    head_b = jnp.zeros((H,), dtype=jnp.float32)
    head_g = jnp.ones((H,), dtype=jnp.float32)
    head_be = jnp.zeros((H,), dtype=jnp.float32)
    # GINConv nn: Linear(H,H) + BN(H) + ReLU
    gin_W = jax.random.normal(ks[3], (H, H), dtype=jnp.float32) / np.sqrt(H)
    gin_b = jnp.zeros((H,), dtype=jnp.float32)
    gin_g = jnp.ones((H,), dtype=jnp.float32)
    gin_be = jnp.zeros((H,), dtype=jnp.float32)
    # per-layer linear: Linear(H,H)
    lin_W = jax.random.normal(ks[4], (H, H), dtype=jnp.float32) / np.sqrt(H)
    lin_b = jnp.zeros((H,), dtype=jnp.float32)
    # tail: Linear(H,T) (GINConv uses a plain Linear tail)
    tail_W = jax.random.normal(ks[5], (H, T), dtype=jnp.float32) / np.sqrt(H)
    tail_b = jnp.zeros((T,), dtype=jnp.float32)
    return {"x": x, "edge_index": edge_index, "batch": batch,
            "head_W": head_W, "head_b": head_b, "head_g": head_g, "head_be": head_be,
            "gin_W": gin_W, "gin_b": gin_b, "gin_g": gin_g, "gin_be": gin_be,
            "lin_W": lin_W, "lin_b": lin_b, "tail_W": tail_W, "tail_b": tail_b}


def reference(x, edge_index, batch, head_W, head_b, head_g, head_be,
              gin_W, gin_b, gin_g, gin_be, lin_W, lin_b, tail_W, tail_b):
    # head block
    h = jnp.maximum(_bn(x @ head_W + head_b, head_g, head_be), 0.0)
    # dropout p=0.0 -> no-op
    # GINConv, eps=0: nn((1+eps)*x_i + sum_{j in N(i)} x_j)
    src = edge_index[0]
    dst = edge_index[1]
    aggr = jax.ops.segment_sum(h[src], dst, num_segments=N)
    z = h + aggr
    h2 = jnp.maximum(_bn(z @ gin_W + gin_b, gin_g, gin_be), 0.0)
    # per-layer linear
    h2 = h2 @ lin_W + lin_b
    # tail (Linear for GINConv)
    out = h2 @ tail_W + tail_b
    return out

if __name__ == "__main__":
    import jax
    _d = setup_inputs()
    print(jax.jit(kernel)(*tuple(_d.values())))

</pallas_src>

<mosaic_0001>
#map = affine_map<(d0, d1) -> (0, 0)>
#map1 = affine_map<(d0, d1) -> (0)>
module attributes {stable_mosaic.version = 14 : i64} {
  func.func @_seg_sum_body(%arg0: i32, %arg1: i32, %arg2: memref<10240x64xf32, #tpu.memory_space<hbm>>, %arg3: memref<640000xi32, #tpu.memory_space<hbm>>, %arg4: memref<10240x64xf32, #tpu.memory_space<hbm>>, %arg5: memref<10240x128xf32, #tpu.memory_space<hbm>>, %arg6: memref<10000xi32, #tpu.memory_space<vmem>>, %arg7: memref<10000xi32, #tpu.memory_space<vmem>>, %arg8: memref<96x64xf32, #tpu.memory_space<vmem>>, %arg9: memref<96x64xf32, #tpu.memory_space<vmem>>, %arg10: memref<96x64xf32, #tpu.memory_space<vmem>>, %arg11: memref<96x64xf32, #tpu.memory_space<vmem>>, %arg12: memref<16x64xf32, #tpu.memory_space<vmem>>, %arg13: memref<10240x64xf32, #tpu.memory_space<vmem_shared>>, %arg14: memref<10240x64xf32, #tpu.memory_space<vmem_shared>>, %arg15: memref<!tpu.dma_semaphore, #tpu.memory_space<semaphore_mem>>, %arg16: memref<!tpu.dma_semaphore, #tpu.memory_space<semaphore_mem>>, %arg17: memref<!tpu.dma_semaphore, #tpu.memory_space<semaphore_mem>>, %arg18: memref<!tpu.dma_semaphore, #tpu.memory_space<semaphore_mem>>, %arg19: memref<!tpu.dma_semaphore, #tpu.memory_space<semaphore_mem>>, %arg20: memref<!tpu.dma_semaphore, #tpu.memory_space<semaphore_mem>>, %arg21: memref<!tpu.dma_semaphore, #tpu.memory_space<semaphore_mem>>, %arg22: memref<!tpu.dma_semaphore, #tpu.memory_space<semaphore_mem>>) attributes {dimension_semantics = [#tpu.dimension_semantics<core_parallel>, #tpu.dimension_semantics<subcore_parallel>], iteration_bounds = array<i64: 2, 16>, scalar_prefetch = 0 : i64, scratch_operands = 17 : i64, tpu.core_type = #tpu.core_type<sc_vector_subcore>, window_params = [{transform_indices = #map}, {transform_indices = #map1}, {transform_indices = #map}, {transform_indices = #map}]} {
    %mul3A = arith.constant 16 : i32
    %mul3A_0 = arith.muli %arg0, %mul3A : i32
    %add3A = arith.addi %mul3A_0, %arg1 : i32
    %mul3A_1 = arith.constant 10000 : i32
    %mul3A_2 = arith.muli %add3A, %mul3A_1 : i32
    %mul3A_3 = arith.constant 640 : i32
    %mul3A_4 = arith.muli %arg1, %mul3A_3 : i32
    %mul3A_5 = arith.constant 640 : i32
    %mul3A_6 = arith.muli %arg1, %mul3A_5 : i32
    "tpu.region"() ({
      %run_scoped3A = tpu.sem_alloc : memref<!tpu.dma_semaphore, #tpu.memory_space<semaphore_mem>>
      %dma_start3A_52 = arith.constant 0 : i32
      %dma_start3A_53 = tpu.memref_slice %arg13[%mul3A_6, %dma_start3A_52] : memref<10240x64xf32, #tpu.memory_space<vmem_shared>> -> memref<640x64xf32, #tpu.memory_space<vmem_shared>>
      %dma_start3A_54 = arith.constant 0 : i32
      %dma_start3A_55 = tpu.memref_slice %arg4[%mul3A_4, %dma_start3A_54] : memref<10240x64xf32, #tpu.memory_space<hbm>> -> memref<640x64xf32, #tpu.memory_space<hbm>>
      tpu.enqueue_dma source(%dma_start3A_55 : memref<640x64xf32, #tpu.memory_space<hbm>>) target(%dma_start3A_53 : memref<640x64xf32, #tpu.memory_space<vmem_shared>>) target_semaphore(%run_scoped3A : memref<!tpu.dma_semaphore, #tpu.memory_space<semaphore_mem>>)
      %dma_wait3A_56 = arith.constant 0 : i32
      %dma_wait3A_57 = tpu.memref_slice %arg13[%mul3A_6, %dma_wait3A_56] : memref<10240x64xf32, #tpu.memory_space<vmem_shared>> -> memref<640x64xf32, #tpu.memory_space<vmem_shared>>
      %dma_wait3A_58 = arith.constant 0 : i32
      %dma_wait3A_59 = tpu.memref_slice %arg4[%mul3A_4, %dma_wait3A_58] : memref<10240x64xf32, #tpu.memory_space<hbm>> -> memref<640x64xf32, #tpu.memory_space<hbm>>
      tpu.wait_dma2 semaphore(%run_scoped3A : memref<!tpu.dma_semaphore, #tpu.memory_space<semaphore_mem>>) src(%dma_wait3A_59 : memref<640x64xf32, #tpu.memory_space<hbm>>) dst(%dma_wait3A_57 : memref<640x64xf32, #tpu.memory_space<vmem_shared>>)
      tpu.yield
    }) : () -> ()
    %mul3A_7 = arith.constant 640 : i32
    %mul3A_8 = arith.muli %arg1, %mul3A_7 : i32
    %mul3A_9 = arith.constant 640 : i32
    %mul3A_10 = arith.muli %arg1, %mul3A_9 : i32
    "tpu.region"() ({
      %run_scoped3A = tpu.sem_alloc : memref<!tpu.dma_semaphore, #tpu.memory_space<semaphore_mem>>
      %dma_start3A_52 = arith.constant 0 : i32
      %dma_start3A_53 = tpu.memref_slice %arg14[%mul3A_10, %dma_start3A_52] : memref<10240x64xf32, #tpu.memory_space<vmem_shared>> -> memref<640x64xf32, #tpu.memory_space<vmem_shared>>
      %dma_start3A_54 = arith.constant 0 : i32
      %dma_start3A_55 = tpu.memref_slice %arg2[%mul3A_8, %dma_start3A_54] : memref<10240x64xf32, #tpu.memory_space<hbm>> -> memref<640x64xf32, #tpu.memory_space<hbm>>
      tpu.enqueue_dma source(%dma_start3A_55 : memref<640x64xf32, #tpu.memory_space<hbm>>) target(%dma_start3A_53 : memref<640x64xf32, #tpu.memory_space<vmem_shared>>) target_semaphore(%run_scoped3A : memref<!tpu.dma_semaphore, #tpu.memory_space<semaphore_mem>>)
      %dma_wait3A_56 = arith.constant 0 : i32
      %dma_wait3A_57 = tpu.memref_slice %arg14[%mul3A_10, %dma_wait3A_56] : memref<10240x64xf32, #tpu.memory_space<vmem_shared>> -> memref<640x64xf32, #tpu.memory_space<vmem_shared>>
      %dma_wait3A_58 = arith.constant 0 : i32
      %dma_wait3A_59 = tpu.memref_slice %arg2[%mul3A_8, %dma_wait3A_58] : memref<10240x64xf32, #tpu.memory_space<hbm>> -> memref<640x64xf32, #tpu.memory_space<hbm>>
      tpu.wait_dma2 semaphore(%run_scoped3A : memref<!tpu.dma_semaphore, #tpu.memory_space<semaphore_mem>>) src(%dma_wait3A_59 : memref<640x64xf32, #tpu.memory_space<hbm>>) dst(%dma_wait3A_57 : memref<640x64xf32, #tpu.memory_space<vmem_shared>>)
      tpu.yield
    }) : () -> ()
    "tpu.region"() ({
      %run_scoped3A = tpu.sem_alloc : memref<!tpu.dma_semaphore, #tpu.memory_space<semaphore_mem>>
      %dma_start3A_52 = tpu.memref_slice %arg3[%mul3A_2] : memref<640000xi32, #tpu.memory_space<hbm>> -> memref<10000xi32, #tpu.memory_space<hbm>>
      %dma_start3A_53 = tpu.memref_slice %arg3[%mul3A_2] : memref<640000xi32, #tpu.memory_space<hbm>> -> memref<10000xi32, #tpu.memory_space<hbm>>
      tpu.enqueue_dma source(%dma_start3A_53 : memref<10000xi32, #tpu.memory_space<hbm>>) target(%arg6 : memref<10000xi32, #tpu.memory_space<vmem>>) target_semaphore(%run_scoped3A : memref<!tpu.dma_semaphore, #tpu.memory_space<semaphore_mem>>)
      %dma_wait3A_54 = tpu.memref_slice %arg3[%mul3A_2] : memref<640000xi32, #tpu.memory_space<hbm>> -> memref<10000xi32, #tpu.memory_space<hbm>>
      %dma_wait3A_55 = tpu.memref_slice %arg3[%mul3A_2] : memref<640000xi32, #tpu.memory_space<hbm>> -> memref<10000xi32, #tpu.memory_space<hbm>>
      tpu.wait_dma2 semaphore(%run_scoped3A : memref<!tpu.dma_semaphore, #tpu.memory_space<semaphore_mem>>) src(%dma_wait3A_55 : memref<10000xi32, #tpu.memory_space<hbm>>) dst(%arg6 : memref<10000xi32, #tpu.memory_space<vmem>>)
      tpu.yield
    }) : () -> ()
    %add3A_11 = arith.constant 320000 : i32
    %add3A_12 = arith.addi %add3A_11, %mul3A_2 : i32
    "tpu.region"() ({
      %run_scoped3A = tpu.sem_alloc : memref<!tpu.dma_semaphore, #tpu.memory_space<semaphore_mem>>
      %dma_start3A_52 = tpu.memref_slice %arg3[%add3A_12] : memref<640000xi32, #tpu.memory_space<hbm>> -> memref<10000xi32, #tpu.memory_space<hbm>>
      %dma_start3A_53 = tpu.memref_slice %arg3[%add3A_12] : memref<640000xi32, #tpu.memory_space<hbm>> -> memref<10000xi32, #tpu.memory_space<hbm>>
      tpu.enqueue_dma source(%dma_start3A_53 : memref<10000xi32, #tpu.memory_space<hbm>>) target(%arg7 : memref<10000xi32, #tpu.memory_space<vmem>>) target_semaphore(%run_scoped3A : memref<!tpu.dma_semaphore, #tpu.memory_space<semaphore_mem>>)
      %dma_wait3A_54 = tpu.memref_slice %arg3[%add3A_12] : memref<640000xi32, #tpu.memory_space<hbm>> -> memref<10000xi32, #tpu.memory_space<hbm>>
      %dma_wait3A_55 = tpu.memref_slice %arg3[%add3A_12] : memref<640000xi32, #tpu.memory_space<hbm>> -> memref<10000xi32, #tpu.memory_space<hbm>>
      tpu.wait_dma2 semaphore(%run_scoped3A : memref<!tpu.dma_semaphore, #tpu.memory_space<semaphore_mem>>) src(%dma_wait3A_55 : memref<10000xi32, #tpu.memory_space<hbm>>) dst(%arg7 : memref<10000xi32, #tpu.memory_space<vmem>>)
      tpu.yield
    }) : () -> ()
    %barrier3A = arith.constant 0 : index
    tpu.barrier barrier_id(%barrier3A)
    %dma_start3A = arith.constant 0 : i32
    %dma_start3A_13 = tpu.memref_slice %arg6[%dma_start3A] : memref<10000xi32, #tpu.memory_space<vmem>> -> memref<96xi32, #tpu.memory_space<vmem>>
    %dma_start3A_14 = arith.constant 0 : i32
    %dma_start3A_15 = arith.constant 0 : i32
    %dma_start3A_16 = tpu.memref_slice %arg14[%dma_start3A_14, %dma_start3A_15] : memref<10240x64xf32, #tpu.memory_space<vmem_shared>> -> memref<10240x64xf32, #tpu.memory_space<vmem_shared>>
    tpu.enqueue_indirect_dma source(%dma_start3A_16 : memref<10240x64xf32, #tpu.memory_space<vmem_shared>>) target(%arg8 : memref<96x64xf32, #tpu.memory_space<vmem>>) offsets(%dma_start3A_13 : memref<96xi32, #tpu.memory_space<vmem>>) semaphore(%arg15 : memref<!tpu.dma_semaphore, #tpu.memory_space<semaphore_mem>>)
    %dma_start3A_17 = arith.constant 96 : i32
    %dma_start3A_18 = tpu.memref_slice %arg6[%dma_start3A_17] : memref<10000xi32, #tpu.memory_space<vmem>> -> memref<96xi32, #tpu.memory_space<vmem>>
    %dma_start3A_19 = arith.constant 0 : i32
    %dma_start3A_20 = arith.constant 0 : i32
    %dma_start3A_21 = tpu.memref_slice %arg14[%dma_start3A_19, %dma_start3A_20] : memref<10240x64xf32, #tpu.memory_space<vmem_shared>> -> memref<10240x64xf32, #tpu.memory_space<vmem_shared>>
    tpu.enqueue_indirect_dma source(%dma_start3A_21 : memref<10240x64xf32, #tpu.memory_space<vmem_shared>>) target(%arg9 : memref<96x64xf32, #tpu.memory_space<vmem>>) offsets(%dma_start3A_18 : memref<96xi32, #tpu.memory_space<vmem>>) semaphore(%arg16 : memref<!tpu.dma_semaphore, #tpu.memory_space<semaphore_mem>>)
    %scan3A = arith.constant 0 : i32
    %scan3A_22 = arith.constant 26 : i32
    %scan3A_23 = arith.addi %scan3A, %scan3A_22 : i32
    %scan3A_24 = arith.constant 1 : i32
    scf.for %scan3A_52 = %scan3A to %scan3A_23 step %scan3A_24  : i32 {
      %mul3A_53 = arith.constant 4 : i32
      %mul3A_54 = arith.muli %scan3A_52, %mul3A_53 : i32
      %add3A_55 = arith.constant 0 : i32
      %add3A_56 = arith.addi %add3A_55, %mul3A_54 : i32
      %add3A_57 = arith.constant 0 : i32
      %add3A_58 = arith.addi %add3A_56, %add3A_57 : i32
      %ge3A = arith.constant 2 : i32
      %ge3A_59 = arith.cmpi sge, %add3A_58, %ge3A : i32
      %convert_element_type3A = arith.extui %ge3A_59 : i1 to i32
      %cond3A = arith.constant 0 : i32
      %cond3A_60 = arith.cmpi ne, %convert_element_type3A, %cond3A : i32
      scf.if %cond3A_60 {
        %sub3A = arith.constant 2 : i32
        %sub3A_157 = arith.subi %add3A_58, %sub3A : i32
        %mul3A_158 = arith.constant 96 : i32
        %mul3A_159 = arith.muli %sub3A_157, %mul3A_158 : i32
        %dma_wait3A_160 = tpu.memref_slice %arg7[%mul3A_159] : memref<10000xi32, #tpu.memory_space<vmem>> -> memref<96xi32, #tpu.memory_space<vmem>>
        %dma_wait3A_161 = arith.constant 0 : i32
        %dma_wait3A_162 = arith.constant 0 : i32
        %dma_wait3A_163 = tpu.memref_slice %arg13[%dma_wait3A_161, %dma_wait3A_162] : memref<10240x64xf32, #tpu.memory_space<vmem_shared>> -> memref<10240x64xf32, #tpu.memory_space<vmem_shared>>
        tpu.wait_indirect_dma semaphore(%arg21 : memref<!tpu.dma_semaphore, #tpu.memory_space<semaphore_mem>>) src(%arg10 : memref<96x64xf32, #tpu.memory_space<vmem>>) dst(%dma_wait3A_163 : memref<10240x64xf32, #tpu.memory_space<vmem_shared>>)
      } else {
      }
      %add3A_61 = arith.constant 2 : i32
      %add3A_62 = arith.addi %add3A_58, %add3A_61 : i32
      %lt3A = arith.constant 104 : i32
      %lt3A_63 = arith.cmpi slt, %add3A_62, %lt3A : i32
      %convert_element_type3A_64 = arith.extui %lt3A_63 : i1 to i32
      %cond3A_65 = arith.constant 0 : i32
      %cond3A_66 = arith.cmpi ne, %convert_element_type3A_64, %cond3A_65 : i32
      scf.if %cond3A_66 {
        %add3A_157 = arith.constant 2 : i32
        %add3A_158 = arith.addi %add3A_58, %add3A_157 : i32
        %mul3A_159 = arith.constant 96 : i32
        %mul3A_160 = arith.muli %add3A_158, %mul3A_159 : i32
        %dma_start3A_161 = tpu.memref_slice %arg6[%mul3A_160] : memref<10000xi32, #tpu.memory_space<vmem>> -> memref<96xi32, #tpu.memory_space<vmem>>
        %dma_start3A_162 = arith.constant 0 : i32
        %dma_start3A_163 = arith.constant 0 : i32
        %dma_start3A_164 = tpu.memref_slice %arg14[%dma_start3A_162, %dma_start3A_163] : memref<10240x64xf32, #tpu.memory_space<vmem_shared>> -> memref<10240x64xf32, #tpu.memory_space<vmem_shared>>
        tpu.enqueue_indirect_dma source(%dma_start3A_164 : memref<10240x64xf32, #tpu.memory_space<vmem_shared>>) target(%arg10 : memref<96x64xf32, #tpu.memory_space<vmem>>) offsets(%dma_start3A_161 : memref<96xi32, #tpu.memory_space<vmem>>) semaphore(%arg17 : memref<!tpu.dma_semaphore, #tpu.memory_space<semaphore_mem>>)
      } else {
      }
      %mul3A_67 = arith.constant 96 : i32
      %mul3A_68 = arith.muli %add3A_58, %mul3A_67 : i32
      %dma_wait3A_69 = tpu.memref_slice %arg6[%mul3A_68] : memref<10000xi32, #tpu.memory_space<vmem>> -> memref<96xi32, #tpu.memory_space<vmem>>
      %dma_wait3A_70 = arith.constant 0 : i32
      %dma_wait3A_71 = arith.constant 0 : i32
      %dma_wait3A_72 = tpu.memref_slice %arg14[%dma_wait3A_70, %dma_wait3A_71] : memref<10240x64xf32, #tpu.memory_space<vmem_shared>> -> memref<10240x64xf32, #tpu.memory_space<vmem_shared>>
      tpu.wait_indirect_dma semaphore(%arg15 : memref<!tpu.dma_semaphore, #tpu.memory_space<semaphore_mem>>) src(%dma_wait3A_72 : memref<10240x64xf32, #tpu.memory_space<vmem_shared>>) dst(%arg8 : memref<96x64xf32, #tpu.memory_space<vmem>>)
      %mul3A_73 = arith.constant 96 : i32
      %mul3A_74 = arith.muli %add3A_58, %mul3A_73 : i32
      %dma_start3A_75 = tpu.memref_slice %arg7[%mul3A_74] : memref<10000xi32, #tpu.memory_space<vmem>> -> memref<96xi32, #tpu.memory_space<vmem>>
      %dma_start3A_76 = arith.constant 0 : i32
      %dma_start3A_77 = arith.constant 0 : i32
      %dma_start3A_78 = tpu.memref_slice %arg13[%dma_start3A_76, %dma_start3A_77] : memref<10240x64xf32, #tpu.memory_space<vmem_shared>> -> memref<10240x64xf32, #tpu.memory_space<vmem_shared>>
      tpu.enqueue_indirect_dma source(%arg8 : memref<96x64xf32, #tpu.memory_space<vmem>>) target(%dma_start3A_78 : memref<10240x64xf32, #tpu.memory_space<vmem_shared>>) offsets(%dma_start3A_75 : memref<96xi32, #tpu.memory_space<vmem>>) semaphore(%arg19 : memref<!tpu.dma_semaphore, #tpu.memory_space<semaphore_mem>>) {add = true}
      %add3A_79 = arith.constant 1 : i32
      %add3A_80 = arith.addi %add3A_56, %add3A_79 : i32
      %ge3A_81 = arith.constant 2 : i32
      %ge3A_82 = arith.cmpi sge, %add3A_80, %ge3A_81 : i32
      %convert_element_type3A_83 = arith.extui %ge3A_82 : i1 to i32
      %cond3A_84 = arith.constant 0 : i32
      %cond3A_85 = arith.cmpi ne, %convert_element_type3A_83, %cond3A_84 : i32
      scf.if %cond3A_85 {
        %sub3A = arith.constant 2 : i32
        %sub3A_157 = arith.subi %add3A_80, %sub3A : i32
        %mul3A_158 = arith.constant 96 : i32
        %mul3A_159 = arith.muli %sub3A_157, %mul3A_158 : i32
        %dma_wait3A_160 = tpu.memref_slice %arg7[%mul3A_159] : memref<10000xi32, #tpu.memory_space<vmem>> -> memref<96xi32, #tpu.memory_space<vmem>>
        %dma_wait3A_161 = arith.constant 0 : i32
        %dma_wait3A_162 = arith.constant 0 : i32
        %dma_wait3A_163 = tpu.memref_slice %arg13[%dma_wait3A_161, %dma_wait3A_162] : memref<10240x64xf32, #tpu.memory_space<vmem_shared>> -> memref<10240x64xf32, #tpu.memory_space<vmem_shared>>
        tpu.wait_indirect_dma semaphore(%arg22 : memref<!tpu.dma_semaphore, #tpu.memory_space<semaphore_mem>>) src(%arg11 : memref<96x64xf32, #tpu.memory_space<vmem>>) dst(%dma_wait3A_163 : memref<10240x64xf32, #tpu.memory_space<vmem_shared>>)
      } else {
      }
      %add3A_86 = arith.constant 2 : i32
      %add3A_87 = arith.addi %add3A_80, %add3A_86 : i32
      %lt3A_88 = arith.constant 104 : i32
      %lt3A_89 = arith.cmpi slt, %add3A_87, %lt3A_88 : i32
      %convert_element_type3A_90 = arith.extui %lt3A_89 : i1 to i32
      %cond3A_91 = arith.constant 0 : i32
      %cond3A_92 = arith.cmpi ne, %convert_element_type3A_90, %cond3A_91 : i32
      scf.if %cond3A_92 {
        %add3A_157 = arith.constant 2 : i32
        %add3A_158 = arith.addi %add3A_80, %add3A_157 : i32
        %mul3A_159 = arith.constant 96 : i32
        %mul3A_160 = arith.muli %add3A_158, %mul3A_159 : i32
        %dma_start3A_161 = tpu.memref_slice %arg6[%mul3A_160] : memref<10000xi32, #tpu.memory_space<vmem>> -> memref<96xi32, #tpu.memory_space<vmem>>
        %dma_start3A_162 = arith.constant 0 : i32
        %dma_start3A_163 = arith.constant 0 : i32
        %dma_start3A_164 = tpu.memref_slice %arg14[%dma_start3A_162, %dma_start3A_163] : memref<10240x64xf32, #tpu.memory_space<vmem_shared>> -> memref<10240x64xf32, #tpu.memory_space<vmem_shared>>
        tpu.enqueue_indirect_dma source(%dma_start3A_164 : memref<10240x64xf32, #tpu.memory_space<vmem_shared>>) target(%arg11 : memref<96x64xf32, #tpu.memory_space<vmem>>) offsets(%dma_start3A_161 : memref<96xi32, #tpu.memory_space<vmem>>) semaphore(%arg18 : memref<!tpu.dma_semaphore, #tpu.memory_space<semaphore_mem>>)
      } else {
      }
      %mul3A_93 = arith.constant 96 : i32
      %mul3A_94 = arith.muli %add3A_80, %mul3A_93 : i32
      %dma_wait3A_95 = tpu.memref_slice %arg6[%mul3A_94] : memref<10000xi32, #tpu.memory_space<vmem>> -> memref<96xi32, #tpu.memory_space<vmem>>
      %dma_wait3A_96 = arith.constant 0 : i32
      %dma_wait3A_97 = arith.constant 0 : i32
      %dma_wait3A_98 = tpu.memref_slice %arg14[%dma_wait3A_96, %dma_wait3A_97] : memref<10240x64xf32, #tpu.memory_space<vmem_shared>> -> memref<10240x64xf32, #tpu.memory_space<vmem_shared>>
      tpu.wait_indirect_dma semaphore(%arg16 : memref<!tpu.dma_semaphore, #tpu.memory_space<semaphore_mem>>) src(%dma_wait3A_98 : memref<10240x64xf32, #tpu.memory_space<vmem_shared>>) dst(%arg9 : memref<96x64xf32, #tpu.memory_space<vmem>>)
      %mul3A_99 = arith.constant 96 : i32
      %mul3A_100 = arith.muli %add3A_80, %mul3A_99 : i32
      %dma_start3A_101 = tpu.memref_slice %arg7[%mul3A_100] : memref<10000xi32, #tpu.memory_space<vmem>> -> memref<96xi32, #tpu.memory_space<vmem>>
      %dma_start3A_102 = arith.constant 0 : i32
      %dma_start3A_103 = arith.constant 0 : i32
      %dma_start3A_104 = tpu.memref_slice %arg13[%dma_start3A_102, %dma_start3A_103] : memref<10240x64xf32, #tpu.memory_space<vmem_shared>> -> memref<10240x64xf32, #tpu.memory_space<vmem_shared>>
      tpu.enqueue_indirect_dma source(%arg9 : memref<96x64xf32, #tpu.memory_space<vmem>>) target(%dma_start3A_104 : memref<10240x64xf32, #tpu.memory_space<vmem_shared>>) offsets(%dma_start3A_101 : memref<96xi32, #tpu.memory_space<vmem>>) semaphore(%arg20 : memref<!tpu.dma_semaphore, #tpu.memory_space<semaphore_mem>>) {add = true}
      %add3A_105 = arith.constant 2 : i32
      %add3A_106 = arith.addi %add3A_56, %add3A_105 : i32
      %ge3A_107 = arith.constant 2 : i32
      %ge3A_108 = arith.cmpi sge, %add3A_106, %ge3A_107 : i32
      %convert_element_type3A_109 = arith.extui %ge3A_108 : i1 to i32
      %cond3A_110 = arith.constant 0 : i32
      %cond3A_111 = arith.cmpi ne, %convert_element_type3A_109, %cond3A_110 : i32
      scf.if %cond3A_111 {
        %sub3A = arith.constant 2 : i32
        %sub3A_157 = arith.subi %add3A_106, %sub3A : i32
        %mul3A_158 = arith.constant 96 : i32
        %mul3A_159 = arith.muli %sub3A_157, %mul3A_158 : i32
        %dma_wait3A_160 = tpu.memref_slice %arg7[%mul3A_159] : memref<10000xi32, #tpu.memory_space<vmem>> -> memref<96xi32, #tpu.memory_space<vmem>>
        %dma_wait3A_161 = arith.constant 0 : i32
        %dma_wait3A_162 = arith.constant 0 : i32
        %dma_wait3A_163 = tpu.memref_slice %arg13[%dma_wait3A_161, %dma_wait3A_162] : memref<10240x64xf32, #tpu.memory_space<vmem_shared>> -> memref<10240x64xf32, #tpu.memory_space<vmem_shared>>
        tpu.wait_indirect_dma semaphore(%arg19 : memref<!tpu.dma_semaphore, #tpu.memory_space<semaphore_mem>>) src(%arg8 : memref<96x64xf32, #tpu.memory_space<vmem>>) dst(%dma_wait3A_163 : memref<10240x64xf32, #tpu.memory_space<vmem_shared>>)
      } else {
      }
      %add3A_112 = arith.constant 2 : i32
      %add3A_113 = arith.addi %add3A_106, %add3A_112 : i32
      %lt3A_114 = arith.constant 104 : i32
      %lt3A_115 = arith.cmpi slt, %add3A_113, %lt3A_114 : i32
      %convert_element_type3A_116 = arith.extui %lt3A_115 : i1 to i32
      %cond3A_117 = arith.constant 0 : i32
      %cond3A_118 = arith.cmpi ne, %convert_element_type3A_116, %cond3A_117 : i32
      scf.if %cond3A_118 {
        %add3A_157 = arith.constant 2 : i32
        %add3A_158 = arith.addi %add3A_106, %add3A_157 : i32
        %mul3A_159 = arith.constant 96 : i32
        %mul3A_160 = arith.muli %add3A_158, %mul3A_159 : i32
        %dma_start3A_161 = tpu.memref_slice %arg6[%mul3A_160] : memref<10000xi32, #tpu.memory_space<vmem>> -> memref<96xi32, #tpu.memory_space<vmem>>
        %dma_start3A_162 = arith.constant 0 : i32
        %dma_start3A_163 = arith.constant 0 : i32
        %dma_start3A_164 = tpu.memref_slice %arg14[%dma_start3A_162, %dma_start3A_163] : memref<10240x64xf32, #tpu.memory_space<vmem_shared>> -> memref<10240x64xf32, #tpu.memory_space<vmem_shared>>
        tpu.enqueue_indirect_dma source(%dma_start3A_164 : memref<10240x64xf32, #tpu.memory_space<vmem_shared>>) target(%arg8 : memref<96x64xf32, #tpu.memory_space<vmem>>) offsets(%dma_start3A_161 : memref<96xi32, #tpu.memory_space<vmem>>) semaphore(%arg15 : memref<!tpu.dma_semaphore, #tpu.memory_space<semaphore_mem>>)
      } else {
      }
      %mul3A_119 = arith.constant 96 : i32
      %mul3A_120 = arith.muli %add3A_106, %mul3A_119 : i32
      %dma_wait3A_121 = tpu.memref_slice %arg6[%mul3A_120] : memref<10000xi32, #tpu.memory_space<vmem>> -> memref<96xi32, #tpu.memory_space<vmem>>
      %dma_wait3A_122 = arith.constant 0 : i32
      %dma_wait3A_123 = arith.constant 0 : i32
      %dma_wait3A_124 = tpu.memref_slice %arg14[%dma_wait3A_122, %dma_wait3A_123] : memref<10240x64xf32, #tpu.memory_space<vmem_shared>> -> memref<10240x64xf32, #tpu.memory_space<vmem_shared>>
      tpu.wait_indirect_dma semaphore(%arg17 : memref<!tpu.dma_semaphore, #tpu.memory_space<semaphore_mem>>) src(%dma_wait3A_124 : memref<10240x64xf32, #tpu.memory_space<vmem_shared>>) dst(%arg10 : memref<96x64xf32, #tpu.memory_space<vmem>>)
      %mul3A_125 = arith.constant 96 : i32
      %mul3A_126 = arith.muli %add3A_106, %mul3A_125 : i32
      %dma_start3A_127 = tpu.memref_slice %arg7[%mul3A_126] : memref<10000xi32, #tpu.memory_space<vmem>> -> memref<96xi32, #tpu.memory_space<vmem>>
      %dma_start3A_128 = arith.constant 0 : i32
      %dma_start3A_129 = arith.constant 0 : i32
      %dma_start3A_130 = tpu.memref_slice %arg13[%dma_start3A_128, %dma_start3A_129] : memref<10240x64xf32, #tpu.memory_space<vmem_shared>> -> memref<10240x64xf32, #tpu.memory_space<vmem_shared>>
      tpu.enqueue_indirect_dma source(%arg10 : memref<96x64xf32, #tpu.memory_space<vmem>>) target(%dma_start3A_130 : memref<10240x64xf32, #tpu.memory_space<vmem_shared>>) offsets(%dma_start3A_127 : memref<96xi32, #tpu.memory_space<vmem>>) semaphore(%arg21 : memref<!tpu.dma_semaphore, #tpu.memory_space<semaphore_mem>>) {add = true}
      %add3A_131 = arith.constant 3 : i32
      %add3A_132 = arith.addi %add3A_56, %add3A_131 : i32
      %ge3A_133 = arith.constant 2 : i32
      %ge3A_134 = arith.cmpi sge, %add3A_132, %ge3A_133 : i32
      %convert_element_type3A_135 = arith.extui %ge3A_134 : i1 to i32
      %cond3A_136 = arith.constant 0 : i32
      %cond3A_137 = arith.cmpi ne, %convert_element_type3A_135, %cond3A_136 : i32
      scf.if %cond3A_137 {
        %sub3A = arith.constant 2 : i32
        %sub3A_157 = arith.subi %add3A_132, %sub3A : i32
        %mul3A_158 = arith.constant 96 : i32
        %mul3A_159 = arith.muli %sub3A_157, %mul3A_158 : i32
        %dma_wait3A_160 = tpu.memref_slice %arg7[%mul3A_159] : memref<10000xi32, #tpu.memory_space<vmem>> -> memref<96xi32, #tpu.memory_space<vmem>>
        %dma_wait3A_161 = arith.constant 0 : i32
        %dma_wait3A_162 = arith.constant 0 : i32
        %dma_wait3A_163 = tpu.memref_slice %arg13[%dma_wait3A_161, %dma_wait3A_162] : memref<10240x64xf32, #tpu.memory_space<vmem_shared>> -> memref<10240x64xf32, #tpu.memory_space<vmem_shared>>
        tpu.wait_indirect_dma semaphore(%arg20 : memref<!tpu.dma_semaphore, #tpu.memory_space<semaphore_mem>>) src(%arg9 : memref<96x64xf32, #tpu.memory_space<vmem>>) dst(%dma_wait3A_163 : memref<10240x64xf32, #tpu.memory_space<vmem_shared>>)
      } else {
      }
      %add3A_138 = arith.constant 2 : i32
      %add3A_139 = arith.addi %add3A_132, %add3A_138 : i32
      %lt3A_140 = arith.constant 104 : i32
      %lt3A_141 = arith.cmpi slt, %add3A_139, %lt3A_140 : i32
      %convert_element_type3A_142 = arith.extui %lt3A_141 : i1 to i32
      %cond3A_143 = arith.constant 0 : i32
      %cond3A_144 = arith.cmpi ne, %convert_element_type3A_142, %cond3A_143 : i32
      scf.if %cond3A_144 {
        %add3A_157 = arith.constant 2 : i32
        %add3A_158 = arith.addi %add3A_132, %add3A_157 : i32
        %mul3A_159 = arith.constant 96 : i32
        %mul3A_160 = arith.muli %add3A_158, %mul3A_159 : i32
        %dma_start3A_161 = tpu.memref_slice %arg6[%mul3A_160] : memref<10000xi32, #tpu.memory_space<vmem>> -> memref<96xi32, #tpu.memory_space<vmem>>
        %dma_start3A_162 = arith.constant 0 : i32
        %dma_start3A_163 = arith.constant 0 : i32
        %dma_start3A_164 = tpu.memref_slice %arg14[%dma_start3A_162, %dma_start3A_163] : memref<10240x64xf32, #tpu.memory_space<vmem_shared>> -> memref<10240x64xf32, #tpu.memory_space<vmem_shared>>
        tpu.enqueue_indirect_dma source(%dma_start3A_164 : memref<10240x64xf32, #tpu.memory_space<vmem_shared>>) target(%arg9 : memref<96x64xf32, #tpu.memory_space<vmem>>) offsets(%dma_start3A_161 : memref<96xi32, #tpu.memory_space<vmem>>) semaphore(%arg16 : memref<!tpu.dma_semaphore, #tpu.memory_space<semaphore_mem>>)
      } else {
      }
      %mul3A_145 = arith.constant 96 : i32
      %mul3A_146 = arith.muli %add3A_132, %mul3A_145 : i32
      %dma_wait3A_147 = tpu.memref_slice %arg6[%mul3A_146] : memref<10000xi32, #tpu.memory_space<vmem>> -> memref<96xi32, #tpu.memory_space<vmem>>
      %dma_wait3A_148 = arith.constant 0 : i32
      %dma_wait3A_149 = arith.constant 0 : i32
      %dma_wait3A_150 = tpu.memref_slice %arg14[%dma_wait3A_148, %dma_wait3A_149] : memref<10240x64xf32, #tpu.memory_space<vmem_shared>> -> memref<10240x64xf32, #tpu.memory_space<vmem_shared>>
      tpu.wait_indirect_dma semaphore(%arg18 : memref<!tpu.dma_semaphore, #tpu.memory_space<semaphore_mem>>) src(%dma_wait3A_150 : memref<10240x64xf32, #tpu.memory_space<vmem_shared>>) dst(%arg11 : memref<96x64xf32, #tpu.memory_space<vmem>>)
      %mul3A_151 = arith.constant 96 : i32
      %mul3A_152 = arith.muli %add3A_132, %mul3A_151 : i32
      %dma_start3A_153 = tpu.memref_slice %arg7[%mul3A_152] : memref<10000xi32, #tpu.memory_space<vmem>> -> memref<96xi32, #tpu.memory_space<vmem>>
      %dma_start3A_154 = arith.constant 0 : i32
      %dma_start3A_155 = arith.constant 0 : i32
      %dma_start3A_156 = tpu.memref_slice %arg13[%dma_start3A_154, %dma_start3A_155] : memref<10240x64xf32, #tpu.memory_space<vmem_shared>> -> memref<10240x64xf32, #tpu.memory_space<vmem_shared>>
      tpu.enqueue_indirect_dma source(%arg11 : memref<96x64xf32, #tpu.memory_space<vmem>>) target(%dma_start3A_156 : memref<10240x64xf32, #tpu.memory_space<vmem_shared>>) offsets(%dma_start3A_153 : memref<96xi32, #tpu.memory_space<vmem>>) semaphore(%arg22 : memref<!tpu.dma_semaphore, #tpu.memory_space<semaphore_mem>>) {add = true}
    }
    %scan3A_25 = arith.constant 26 : i32
    %dma_wait3A = arith.constant 9792 : i32
    %dma_wait3A_26 = tpu.memref_slice %arg7[%dma_wait3A] : memref<10000xi32, #tpu.memory_space<vmem>> -> memref<96xi32, #tpu.memory_space<vmem>>
    %dma_wait3A_27 = arith.constant 0 : i32
    %dma_wait3A_28 = arith.constant 0 : i32
    %dma_wait3A_29 = tpu.memref_slice %arg13[%dma_wait3A_27, %dma_wait3A_28] : memref<10240x64xf32, #tpu.memory_space<vmem_shared>> -> memref<10240x64xf32, #tpu.memory_space<vmem_shared>>
    tpu.wait_indirect_dma semaphore(%arg21 : memref<!tpu.dma_semaphore, #tpu.memory_space<semaphore_mem>>) src(%arg10 : memref<96x64xf32, #tpu.memory_space<vmem>>) dst(%dma_wait3A_29 : memref<10240x64xf32, #tpu.memory_space<vmem_shared>>)
    %dma_wait3A_30 = arith.constant 9888 : i32
    %dma_wait3A_31 = tpu.memref_slice %arg7[%dma_wait3A_30] : memref<10000xi32, #tpu.memory_space<vmem>> -> memref<96xi32, #tpu.memory_space<vmem>>
    %dma_wait3A_32 = arith.constant 0 : i32
    %dma_wait3A_33 = arith.constant 0 : i32
    %dma_wait3A_34 = tpu.memref_slice %arg13[%dma_wait3A_32, %dma_wait3A_33] : memref<10240x64xf32, #tpu.memory_space<vmem_shared>> -> memref<10240x64xf32, #tpu.memory_space<vmem_shared>>
    tpu.wait_indirect_dma semaphore(%arg22 : memref<!tpu.dma_semaphore, #tpu.memory_space<semaphore_mem>>) src(%arg11 : memref<96x64xf32, #tpu.memory_space<vmem>>) dst(%dma_wait3A_34 : memref<10240x64xf32, #tpu.memory_space<vmem_shared>>)
    %dma_start3A_35 = arith.constant 9984 : i32
    %dma_start3A_36 = tpu.memref_slice %arg6[%dma_start3A_35] : memref<10000xi32, #tpu.memory_space<vmem>> -> memref<16xi32, #tpu.memory_space<vmem>>
    %dma_start3A_37 = arith.constant 0 : i32
    %dma_start3A_38 = arith.constant 0 : i32
    %dma_start3A_39 = tpu.memref_slice %arg14[%dma_start3A_37, %dma_start3A_38] : memref<10240x64xf32, #tpu.memory_space<vmem_shared>> -> memref<10240x64xf32, #tpu.memory_space<vmem_shared>>
    tpu.enqueue_indirect_dma source(%dma_start3A_39 : memref<10240x64xf32, #tpu.memory_space<vmem_shared>>) target(%arg12 : memref<16x64xf32, #tpu.memory_space<vmem>>) offsets(%dma_start3A_36 : memref<16xi32, #tpu.memory_space<vmem>>) semaphore(%arg15 : memref<!tpu.dma_semaphore, #tpu.memory_space<semaphore_mem>>)
    %dma_wait3A_40 = arith.constant 9984 : i32
    %dma_wait3A_41 = tpu.memref_slice %arg6[%dma_wait3A_40] : memref<10000xi32, #tpu.memory_space<vmem>> -> memref<16xi32, #tpu.memory_space<vmem>>
    %dma_wait3A_42 = arith.constant 0 : i32
    %dma_wait3A_43 = arith.constant 0 : i32
    %dma_wait3A_44 = tpu.memref_slice %arg14[%dma_wait3A_42, %dma_wait3A_43] : memref<10240x64xf32, #tpu.memory_space<vmem_shared>> -> memref<10240x64xf32, #tpu.memory_space<vmem_shared>>
    tpu.wait_indirect_dma semaphore(%arg15 : memref<!tpu.dma_semaphore, #tpu.memory_space<semaphore_mem>>) src(%dma_wait3A_44 : memref<10240x64xf32, #tpu.memory_space<vmem_shared>>) dst(%arg12 : memref<16x64xf32, #tpu.memory_space<vmem>>)
    "tpu.region"() ({
      %run_scoped3A = tpu.sem_alloc : memref<!tpu.dma_semaphore, #tpu.memory_space<semaphore_mem>>
      %dma_start3A_52 = arith.constant 9984 : i32
      %dma_start3A_53 = tpu.memref_slice %arg7[%dma_start3A_52] : memref<10000xi32, #tpu.memory_space<vmem>> -> memref<16xi32, #tpu.memory_space<vmem>>
      %dma_start3A_54 = arith.constant 0 : i32
      %dma_start3A_55 = arith.constant 0 : i32
      %dma_start3A_56 = tpu.memref_slice %arg13[%dma_start3A_54, %dma_start3A_55] : memref<10240x64xf32, #tpu.memory_space<vmem_shared>> -> memref<10240x64xf32, #tpu.memory_space<vmem_shared>>
      tpu.enqueue_indirect_dma source(%arg12 : memref<16x64xf32, #tpu.memory_space<vmem>>) target(%dma_start3A_56 : memref<10240x64xf32, #tpu.memory_space<vmem_shared>>) offsets(%dma_start3A_53 : memref<16xi32, #tpu.memory_space<vmem>>) semaphore(%run_scoped3A : memref<!tpu.dma_semaphore, #tpu.memory_space<semaphore_mem>>) {add = true}
      %dma_wait3A_57 = arith.constant 9984 : i32
      %dma_wait3A_58 = tpu.memref_slice %arg7[%dma_wait3A_57] : memref<10000xi32, #tpu.memory_space<vmem>> -> memref<16xi32, #tpu.memory_space<vmem>>
      %dma_wait3A_59 = arith.constant 0 : i32
      %dma_wait3A_60 = arith.constant 0 : i32
      %dma_wait3A_61 = tpu.memref_slice %arg13[%dma_wait3A_59, %dma_wait3A_60] : memref<10240x64xf32, #tpu.memory_space<vmem_shared>> -> memref<10240x64xf32, #tpu.memory_space<vmem_shared>>
      tpu.wait_indirect_dma semaphore(%run_scoped3A : memref<!tpu.dma_semaphore, #tpu.memory_space<semaphore_mem>>) src(%arg12 : memref<16x64xf32, #tpu.memory_space<vmem>>) dst(%dma_wait3A_61 : memref<10240x64xf32, #tpu.memory_space<vmem_shared>>)
      tpu.yield
    }) : () -> ()
    %barrier3A_45 = arith.constant 0 : index
    tpu.barrier barrier_id(%barrier3A_45)
    %mul3A_46 = arith.constant 640 : i32
    %mul3A_47 = arith.muli %arg1, %mul3A_46 : i32
    %mul3A_48 = arith.constant 640 : i32
    %mul3A_49 = arith.muli %arg1, %mul3A_48 : i32
    %mul3A_50 = arith.constant 64 : i32
    %mul3A_51 = arith.muli %arg0, %mul3A_50 : i32
    "tpu.region"() ({
      %run_scoped3A = tpu.sem_alloc : memref<!tpu.dma_semaphore, #tpu.memory_space<semaphore_mem>>
      %dma_start3A_52 = tpu.memref_slice %arg5[%mul3A_49, %mul3A_51] : memref<10240x128xf32, #tpu.memory_space<hbm>> -> memref<640x64xf32, #tpu.memory_space<hbm>>
      %dma_start3A_53 = arith.constant 0 : i32
      %dma_start3A_54 = tpu.memref_slice %arg13[%mul3A_47, %dma_start3A_53] : memref<10240x64xf32, #tpu.memory_space<vmem_shared>> -> memref<640x64xf32, #tpu.memory_space<vmem_shared>>
      tpu.enqueue_dma source(%dma_start3A_54 : memref<640x64xf32, #tpu.memory_space<vmem_shared>>) target(%dma_start3A_52 : memref<640x64xf32, #tpu.memory_space<hbm>>) target_semaphore(%run_scoped3A : memref<!tpu.dma_semaphore, #tpu.memory_space<semaphore_mem>>)
      %dma_wait3A_55 = tpu.memref_slice %arg5[%mul3A_49, %mul3A_51] : memref<10240x128xf32, #tpu.memory_space<hbm>> -> memref<640x64xf32, #tpu.memory_space<hbm>>
      %dma_wait3A_56 = arith.constant 0 : i32
      %dma_wait3A_57 = tpu.memref_slice %arg13[%mul3A_47, %dma_wait3A_56] : memref<10240x64xf32, #tpu.memory_space<vmem_shared>> -> memref<640x64xf32, #tpu.memory_space<vmem_shared>>
      tpu.wait_dma2 semaphore(%run_scoped3A : memref<!tpu.dma_semaphore, #tpu.memory_space<semaphore_mem>>) src(%dma_wait3A_57 : memref<640x64xf32, #tpu.memory_space<vmem_shared>>) dst(%dma_wait3A_55 : memref<640x64xf32, #tpu.memory_space<hbm>>)
      tpu.yield
    }) : () -> ()
    return
  }
}

module attributes {stable_mosaic.version = 14 : i64} {
  func.func @_head_body(%arg0: memref<10000x128xf32, #tpu.memory_space<vmem>>, %arg1: memref<128x64xf32, #tpu.memory_space<vmem>>, %arg2: memref<1x64xf32, #tpu.memory_space<vmem>>, %arg3: memref<1x64xf32, #tpu.memory_space<vmem>>, %arg4: memref<1x64xf32, #tpu.memory_space<vmem>>, %arg5: memref<10240x64xf32, #tpu.memory_space<vmem>>) attributes {dimension_semantics = [], scalar_prefetch = 0 : i64, scratch_operands = 0 : i64, tpu.core_type = #tpu.core_type<tc>} {
    %get3A = arith.constant 0 : index
    %get3A_0 = arith.constant 0 : index
    %get3A_1 = vector.load %arg0[%get3A, %get3A_0] : memref<10000x128xf32, #tpu.memory_space<vmem>>, vector<10000x128xf32>
    %get3A_2 = arith.constant 0 : index
    %get3A_3 = arith.constant 0 : index
    %get3A_4 = vector.load %arg1[%get3A_2, %get3A_3] : memref<128x64xf32, #tpu.memory_space<vmem>>, vector<128x64xf32>
    %dot_general3A = arith.constant dense<0.000000e+00> : vector<10000x64xf32>
    %dot_general3A_5 = tpu.matmul %get3A_1, %get3A_4, %dot_general3A {dimension_numbers = #tpu.dot_dimension_numbers<[1], [0], [0], [1], [0, 0, 1, 1], [], []>, transpose_lhs_hint = false} : vector<10000x128xf32>, vector<128x64xf32>, vector<10000x64xf32> -> vector<10000x64xf32>
    %get3A_6 = arith.constant 0 : index
    %get3A_7 = arith.constant 0 : index
    %get3A_8 = vector.load %arg2[%get3A_6, %get3A_7] : memref<1x64xf32, #tpu.memory_space<vmem>>, vector<1x64xf32>
    %add3A = vector.broadcast %get3A_8 : vector<1x64xf32> to vector<10000x64xf32>
    %add3A_9 = arith.addf %dot_general3A_5, %add3A : vector<10000x64xf32>
    %get3A_10 = arith.constant 0 : index
    %get3A_11 = arith.constant 0 : index
    %get3A_12 = vector.load %arg3[%get3A_10, %get3A_11] : memref<1x64xf32, #tpu.memory_space<vmem>>, vector<1x64xf32>
    %get3A_13 = arith.constant 0 : index
    %get3A_14 = arith.constant 0 : index
    %get3A_15 = vector.load %arg4[%get3A_13, %get3A_14] : memref<1x64xf32, #tpu.memory_space<vmem>>, vector<1x64xf32>
    %reduce_sum3A = arith.constant dense<0.000000e+00> : vector<64xf32>
    %reduce_sum3A_16 = vector.multi_reduction <add>, %add3A_9, %reduce_sum3A [0] : vector<10000x64xf32> to vector<64xf32>
    %broadcast_in_dim3A = vector.shape_cast %reduce_sum3A_16 : vector<64xf32> to vector<1x64xf32>
    %div3A = arith.constant 1.000000e+04 : f32
    %div3A_17 = vector.broadcast %div3A : f32 to vector<1x64xf32>
    %div3A_18 = arith.divf %broadcast_in_dim3A, %div3A_17 : vector<1x64xf32>
    %sub3A = vector.broadcast %div3A_18 : vector<1x64xf32> to vector<10000x64xf32>
    %sub3A_19 = arith.subf %add3A_9, %sub3A : vector<10000x64xf32>
    %integer_pow3A = arith.mulf %sub3A_19, %sub3A_19 : vector<10000x64xf32>
    %reduce_sum3A_20 = arith.constant dense<0.000000e+00> : vector<64xf32>
    %reduce_sum3A_21 = vector.multi_reduction <add>, %integer_pow3A, %reduce_sum3A_20 [0] : vector<10000x64xf32> to vector<64xf32>
    %broadcast_in_dim3A_22 = vector.shape_cast %reduce_sum3A_21 : vector<64xf32> to vector<1x64xf32>
    %div3A_23 = arith.constant 1.000000e+04 : f32
    %div3A_24 = vector.broadcast %div3A_23 : f32 to vector<1x64xf32>
    %div3A_25 = arith.divf %broadcast_in_dim3A_22, %div3A_24 : vector<1x64xf32>
    %sub3A_26 = vector.broadcast %div3A_18 : vector<1x64xf32> to vector<10000x64xf32>
    %sub3A_27 = arith.subf %add3A_9, %sub3A_26 : vector<10000x64xf32>
    %add3A_28 = arith.constant 9.99999974E-6 : f32
    %add3A_29 = vector.broadcast %add3A_28 : f32 to vector<1x64xf32>
    %add3A_30 = arith.addf %div3A_25, %add3A_29 : vector<1x64xf32>
    %sqrt3A = math.sqrt %add3A_30 : vector<1x64xf32>
    %div3A_31 = vector.broadcast %sqrt3A : vector<1x64xf32> to vector<10000x64xf32>
    %div3A_32 = arith.divf %sub3A_27, %div3A_31 : vector<10000x64xf32>
    %mul3A = vector.broadcast %get3A_12 : vector<1x64xf32> to vector<10000x64xf32>
    %mul3A_33 = arith.mulf %div3A_32, %mul3A : vector<10000x64xf32>
    %add3A_34 = vector.broadcast %get3A_15 : vector<1x64xf32> to vector<10000x64xf32>
    %add3A_35 = arith.addf %mul3A_33, %add3A_34 : vector<10000x64xf32>
    %max3A = arith.constant 0.000000e+00 : f32
    %max3A_36 = vector.broadcast %max3A : f32 to vector<10000x64xf32>
    %max3A_37 = arith.maximumf %add3A_35, %max3A_36 : vector<10000x64xf32>
    %broadcast_in_dim3A_38 = arith.constant 0.000000e+00 : f32
    %broadcast_in_dim3A_39 = vector.broadcast %broadcast_in_dim3A_38 : f32 to vector<240x64xf32>
    %concatenate3A = tpu.concatenate %max3A_37, %broadcast_in_dim3A_39 in 0 : vector<10000x64xf32>, vector<240x64xf32> -> vector<10240x64xf32>
    %swap3A = arith.constant 0 : index
    %swap3A_40 = arith.constant 0 : index
    %swap3A_41 = vector.load %arg5[%swap3A, %swap3A_40] : memref<10240x64xf32, #tpu.memory_space<vmem>>, vector<10240x64xf32>
    tpu.vector_store %arg5[%swap3A, %swap3A_40], %concatenate3A {strides = array<i32>} : memref<10240x64xf32, #tpu.memory_space<vmem>>, vector<10240x64xf32>,
    return
  }
}

module attributes {stable_mosaic.version = 14 : i64} {
  func.func @_tail_body(%arg0: memref<10240x64xf32, #tpu.memory_space<vmem>>, %arg1: memref<10240x128xf32, #tpu.memory_space<vmem>>, %arg2: memref<64x64xf32, #tpu.memory_space<vmem>>, %arg3: memref<1x64xf32, #tpu.memory_space<vmem>>, %arg4: memref<1x64xf32, #tpu.memory_space<vmem>>, %arg5: memref<1x64xf32, #tpu.memory_space<vmem>>, %arg6: memref<64x64xf32, #tpu.memory_space<vmem>>, %arg7: memref<1x64xf32, #tpu.memory_space<vmem>>, %arg8: memref<64x4xf32, #tpu.memory_space<vmem>>, %arg9: memref<1x4xf32, #tpu.memory_space<vmem>>, %arg10: memref<10000x4xf32, #tpu.memory_space<vmem>>) attributes {dimension_semantics = [], scalar_prefetch = 0 : i64, scratch_operands = 0 : i64, tpu.core_type = #tpu.core_type<tc>} {
    %get3A = arith.constant 0 : index
    %get3A_0 = arith.constant 0 : index
    %get3A_1 = vector.load %arg0[%get3A, %get3A_0] : memref<10240x64xf32, #tpu.memory_space<vmem>>, vector<10000x64xf32>
    %get3A_2 = arith.constant 0 : index
    %get3A_3 = arith.constant 0 : index
    %get3A_4 = vector.load %arg1[%get3A_2, %get3A_3] : memref<10240x128xf32, #tpu.memory_space<vmem>>, vector<10000x64xf32>
    %add3A = arith.addf %get3A_1, %get3A_4 : vector<10000x64xf32>
    %get3A_5 = arith.constant 0 : index
    %get3A_6 = arith.constant 64 : index
    %get3A_7 = vector.load %arg1[%get3A_5, %get3A_6] : memref<10240x128xf32, #tpu.memory_space<vmem>>, vector<10000x64xf32>
    %add3A_8 = arith.addf %add3A, %get3A_7 : vector<10000x64xf32>
    %get3A_9 = arith.constant 0 : index
    %get3A_10 = arith.constant 0 : index
    %get3A_11 = vector.load %arg2[%get3A_9, %get3A_10] : memref<64x64xf32, #tpu.memory_space<vmem>>, vector<64x64xf32>
    %dot_general3A = arith.constant dense<0.000000e+00> : vector<10000x64xf32>
    %dot_general3A_12 = tpu.matmul %add3A_8, %get3A_11, %dot_general3A {dimension_numbers = #tpu.dot_dimension_numbers<[1], [0], [0], [1], [0, 0, 1, 1], [], []>, transpose_lhs_hint = false} : vector<10000x64xf32>, vector<64x64xf32>, vector<10000x64xf32> -> vector<10000x64xf32>
    %get3A_13 = arith.constant 0 : index
    %get3A_14 = arith.constant 0 : index
    %get3A_15 = vector.load %arg3[%get3A_13, %get3A_14] : memref<1x64xf32, #tpu.memory_space<vmem>>, vector<1x64xf32>
    %add3A_16 = vector.broadcast %get3A_15 : vector<1x64xf32> to vector<10000x64xf32>
    %add3A_17 = arith.addf %dot_general3A_12, %add3A_16 : vector<10000x64xf32>
    %get3A_18 = arith.constant 0 : index
    %get3A_19 = arith.constant 0 : index
    %get3A_20 = vector.load %arg4[%get3A_18, %get3A_19] : memref<1x64xf32, #tpu.memory_space<vmem>>, vector<1x64xf32>
    %get3A_21 = arith.constant 0 : index
    %get3A_22 = arith.constant 0 : index
    %get3A_23 = vector.load %arg5[%get3A_21, %get3A_22] : memref<1x64xf32, #tpu.memory_space<vmem>>, vector<1x64xf32>
    %reduce_sum3A = arith.constant dense<0.000000e+00> : vector<64xf32>
    %reduce_sum3A_24 = vector.multi_reduction <add>, %add3A_17, %reduce_sum3A [0] : vector<10000x64xf32> to vector<64xf32>
    %broadcast_in_dim3A = vector.shape_cast %reduce_sum3A_24 : vector<64xf32> to vector<1x64xf32>
    %div3A = arith.constant 1.000000e+04 : f32
    %div3A_25 = vector.broadcast %div3A : f32 to vector<1x64xf32>
    %div3A_26 = arith.divf %broadcast_in_dim3A, %div3A_25 : vector<1x64xf32>
    %sub3A = vector.broadcast %div3A_26 : vector<1x64xf32> to vector<10000x64xf32>
    %sub3A_27 = arith.subf %add3A_17, %sub3A : vector<10000x64xf32>
    %integer_pow3A = arith.mulf %sub3A_27, %sub3A_27 : vector<10000x64xf32>
    %reduce_sum3A_28 = arith.constant dense<0.000000e+00> : vector<64xf32>
    %reduce_sum3A_29 = vector.multi_reduction <add>, %integer_pow3A, %reduce_sum3A_28 [0] : vector<10000x64xf32> to vector<64xf32>
    %broadcast_in_dim3A_30 = vector.shape_cast %reduce_sum3A_29 : vector<64xf32> to vector<1x64xf32>
    %div3A_31 = arith.constant 1.000000e+04 : f32
    %div3A_32 = vector.broadcast %div3A_31 : f32 to vector<1x64xf32>
    %div3A_33 = arith.divf %broadcast_in_dim3A_30, %div3A_32 : vector<1x64xf32>
    %sub3A_34 = vector.broadcast %div3A_26 : vector<1x64xf32> to vector<10000x64xf32>
    %sub3A_35 = arith.subf %add3A_17, %sub3A_34 : vector<10000x64xf32>
    %add3A_36 = arith.constant 9.99999974E-6 : f32
    %add3A_37 = vector.broadcast %add3A_36 : f32 to vector<1x64xf32>
    %add3A_38 = arith.addf %div3A_33, %add3A_37 : vector<1x64xf32>
    %sqrt3A = math.sqrt %add3A_38 : vector<1x64xf32>
    %div3A_39 = vector.broadcast %sqrt3A : vector<1x64xf32> to vector<10000x64xf32>
    %div3A_40 = arith.divf %sub3A_35, %div3A_39 : vector<10000x64xf32>
    %mul3A = vector.broadcast %get3A_20 : vector<1x64xf32> to vector<10000x64xf32>
    %mul3A_41 = arith.mulf %div3A_40, %mul3A : vector<10000x64xf32>
    %add3A_42 = vector.broadcast %get3A_23 : vector<1x64xf32> to vector<10000x64xf32>
    %add3A_43 = arith.addf %mul3A_41, %add3A_42 : vector<10000x64xf32>
    %max3A = arith.constant 0.000000e+00 : f32
    %max3A_44 = vector.broadcast %max3A : f32 to vector<10000x64xf32>
    %max3A_45 = arith.maximumf %add3A_43, %max3A_44 : vector<10000x64xf32>
    %get3A_46 = arith.constant 0 : index
    %get3A_47 = arith.constant 0 : index
    %get3A_48 = vector.load %arg6[%get3A_46, %get3A_47] : memref<64x64xf32, #tpu.memory_space<vmem>>, vector<64x64xf32>
    %get3A_49 = arith.constant 0 : index
    %get3A_50 = arith.constant 0 : index
    %get3A_51 = vector.load %arg8[%get3A_49, %get3A_50] : memref<64x4xf32, #tpu.memory_space<vmem>>, vector<64x4xf32>
    %dot_general3A_52 = arith.constant dense<0.000000e+00> : vector<64x4xf32>
    %dot_general3A_53 = tpu.matmul %get3A_48, %get3A_51, %dot_general3A_52 {dimension_numbers = #tpu.dot_dimension_numbers<[1], [0], [0], [1], [0, 0, 1, 1], [], []>, transpose_lhs_hint = false} : vector<64x64xf32>, vector<64x4xf32>, vector<64x4xf32> -> vector<64x4xf32>
    %get3A_54 = arith.constant 0 : index
    %get3A_55 = arith.constant 0 : index
    %get3A_56 = vector.load %arg7[%get3A_54, %get3A_55] : memref<1x64xf32, #tpu.memory_space<vmem>>, vector<1x64xf32>
    %get3A_57 = arith.constant 0 : index
    %get3A_58 = arith.constant 0 : index
    %get3A_59 = vector.load %arg8[%get3A_57, %get3A_58] : memref<64x4xf32, #tpu.memory_space<vmem>>, vector<64x4xf32>
    %dot_general3A_60 = arith.constant dense<0.000000e+00> : vector<1x4xf32>
    %dot_general3A_61 = tpu.matmul %get3A_56, %get3A_59, %dot_general3A_60 {dimension_numbers = #tpu.dot_dimension_numbers<[1], [0], [0], [1], [0, 0, 1, 1], [], []>, transpose_lhs_hint = false} : vector<1x64xf32>, vector<64x4xf32>, vector<1x4xf32> -> vector<1x4xf32>
    %get3A_62 = arith.constant 0 : index
    %get3A_63 = arith.constant 0 : index
    %get3A_64 = vector.load %arg9[%get3A_62, %get3A_63] : memref<1x4xf32, #tpu.memory_space<vmem>>, vector<1x4xf32>
    %add3A_65 = arith.addf %dot_general3A_61, %get3A_64 : vector<1x4xf32>
    %dot_general3A_66 = arith.constant dense<0.000000e+00> : vector<10000x4xf32>
    %dot_general3A_67 = tpu.matmul %max3A_45, %dot_general3A_53, %dot_general3A_66 {dimension_numbers = #tpu.dot_dimension_numbers<[1], [0], [0], [1], [0, 0, 1, 1], [], []>, transpose_lhs_hint = false} : vector<10000x64xf32>, vector<64x4xf32>, vector<10000x4xf32> -> vector<10000x4xf32>
    %add3A_68 = vector.broadcast %add3A_65 : vector<1x4xf32> to vector<10000x4xf32>
    %add3A_69 = arith.addf %dot_general3A_67, %add3A_68 : vector<10000x4xf32>
    %swap3A = arith.constant 0 : index
    %swap3A_70 = arith.constant 0 : index
    %swap3A_71 = vector.load %arg10[%swap3A, %swap3A_70] : memref<10000x4xf32, #tpu.memory_space<vmem>>, vector<10000x4xf32>
    tpu.vector_store %arg10[%swap3A, %swap3A_70], %add3A_69 {strides = array<i32>} : memref<10000x4xf32, #tpu.memory_space<vmem>>, vector<10000x4xf32>,
    return
  }
}

</mosaic_0001>

<sc_bundles>
// kernel: kernel.5.cloned.1.call-start
scs
__scs_entry_jumppad:
0x0: {  	(pc) =	sbr.rel $0x88, $3  }
0x1: {  	(tag) =	ssettag $0x0;
	lr =	simm.s32 $0x1  }
0x2: {  	[smem:$0x3F93] =	sst lr;
	_ =	strace $0xD0000000  }
0x3: {  	_ = 	snop  }
0x4: {  	_ = 	snop  }
0x5: {  	_ = 	snop  }
0x6: {  	_ = 	snop  }
0x7: {  	_ = 	snop  }
__scs_overlays_trampoline_lowered:
0x8: {  	[smem:$0x3FA2] =	sst s0  }
0x9: {  	[smem:$0x3FA3] =	sst s1  }
0xa: {  	[smem:$0x3FA4] =	sst s2  }
0xb: {  	[smem:$0x3FA5] =	sst s3  }
0xc: {  	[smem:$0x3FA6] =	sst s4  }
0xd: {  	[smem:$0x3FA7] =	sst s5  }
0xe: {  	[smem:$0x3FA8] =	sst s6  }
0xf: {  	[smem:$0x3FA9] =	sst s7  }
0x10: {  	[smem:$0x3FAA] =	sst s8  }
0x11: {  	[smem:$0x3FAB] =	sst s9;
	s0 =	simm.s32 @!p0 $0x0  }
0x12: {  	s1 =	sld [smem:$0x3F91];
	s0 =	simm.s32 @p0 $0x1  }
0x13: {  	[smem:$0x3FAC] =	sst s0;
	s0 =	simm.s32 @!p1 $0x0  }
0x14: {  	s2 =	sld [smem:$0x3F90];
	s0 =	simm.s32 @p1 $0x1  }
0x15: {  	[smem:$0x3FAD] =	sst s0;
	s0 =	simm.s32 @!p2 $0x0  }
0x16: {  	s3 =	sld [smem:$0x3FDB];
	s0 =	simm.s32 @p2 $0x1  }
0x17: {  	s4 =	simm.s32 $0x1BF5;
	[smem:$0x3FAF] =	sst s0  }
0x18: {  	s0 =	sld [smem:$0x3F92];
	_ =	swait.ge [sflag:s4], $0x0  }
0x19: {  	s7 =	sld [smem:$0x3F93]  }
0x1a: {  	s8 =	sadd.s32 $0xFFFFE003, lr  }
0x1b: {  	s9 =	sadd.s32 $0xFFFFFEF7, lr;
	s5 =	simm.s32 $0xFFFFFFFF;
	p2 =	slt.u32 s8, $0xFFFFF086  }
0x1c: {  	p1 =	slt.u32 s9, $0xF7A;
	s5 =	simm.s32 @!p2 $0x0  }
0x1d: {  	s5 =	simm.s32 @p1 $0x1;
	p0 =	seq.s32 s7, s2  }
0x1e: {  	s7 =	smul.u32 @!p0 $0xF7A, s2;
	p2 =	seq.s32 @!p0 s5, $0x0  }
0x1f: {  	s9 =	smul.u32 $0xF7A, s1;
	s8 =	simm.s32 @!p0 $0x1BF5;
	p2 =	por !p2, p0  }
0x20: {  	[sflag:s8] =	ssyncset.s32 @!p0 $0xFFFFF086;
	s6 =	sadd.s32 @!p0 s3, s7;
	s7 =	simm.s32 @!p0 $0x108  }
0x21: {  	s3 =	sadd.s32 s3, s9;
	s6 =	sadd.s32 @!p0 $0x88, s6;
	s7 =	simm.s32 @p2 $0x1082  }
0x22: {  	[simem:s7], [sflag:s8] =	dma.local @!p0 [hbm:s6], $0xF7A  }
0x23: {  	s9 =	sor.u32 $0xD0000000, s2;
	s6 =	simm.s32 $0x108;
	_ =	swait.ge @!p0 [sflag:s8], $0x0  }
0x24: {  	s3 =	sadd.s32 $0x88, s3;
	s6 =	simm.s32 @!p1 $0x1082;
	[sflag:s4] =	ssyncset.s32 $0xFFFFF086  }
0x25: {  	[simem:s6], [sflag:s4] =	dma.local [hbm:s3], $0xF7A  }
0x26: {  	[smem:$0x3F93] =	sst s1;
	(tag) =	ssettag s2;
	_ =	strace s9  }
0x27: {  	s1 =	sld [smem:$0x3FA3]  }
0x28: {  	s2 =	sld [smem:$0x3FA4]  }
0x29: {  	s4 =	sld [smem:$0x3FA6]  }
0x2a: {  	p0 =	seq.s32 s5, $0x0;
	s5 =	sld [smem:$0x3FA7]  }
0x2b: {  	s6 =	sld [smem:$0x3FA8]  }
0x2c: {  	s7 =	sld [smem:$0x3FA9]  }
0x2d: {  	s3 =	simm.s32 $0x108;
	s8 =	sld [smem:$0x3FAA]  }
0x2e: {  	s3 =	simm.s32 @!p0 $0x1082;
	s9 =	sld [smem:$0x3FAB]  }
0x2f: {  	lr =	sadd.s32 s0, s3;
	s0 =	sld [smem:$0x3FA2]  }
0x30: {  	s3 =	sld [smem:$0x3FA5]  }
0x31: {  	[smem:$0x3FAE] =	sst s10  }
0x32: {  	s10 =	sld [smem:$0x3FAC];
	_ =	sdelay $0x3  }
0x33: {  	p0 =	seq.s32 s10, $0x1;
	s10 =	sld [smem:$0x3FAE];
	_ =	sdelay $0x3  }
0x34: {  	[smem:$0x3FAE] =	sst s10  }
0x35: {  	s10 =	sld [smem:$0x3FAD];
	_ =	sdelay $0x3  }
0x36: {  	p1 =	seq.s32 s10, $0x1;
	s10 =	sld [smem:$0x3FAE];
	_ =	sdelay $0x3  }
0x37: {  	[smem:$0x3FAE] =	sst s10  }
0x38: {  	s10 =	sld [smem:$0x3FAF]  }
0x39: {  	_ = 	snop;
	(pc) =	sbr.ind lr, $3  }
0x3a: {  	_ = 	snop  }
0x3b: {  	_ = 	snop  }
0x3c: {  	p2 =	seq.s32 s10, $0x1;
	s10 =	sld [smem:$0x3FAE]  }
0x3d: {  	_ =	shalt  }
0x3e: {  	_ =	shalt  }
0x3f: {  	_ =	shalt  }
0x40: {  	_ =	shalt  }
0x41: {  	_ =	shalt  }
0x42: {  	_ =	shalt  }
0x43: {  	_ =	shalt  }
0x44: {  	_ =	shalt  }
0x45: {  	_ =	shalt  }
0x46: {  	_ =	shalt  }
0x47: {  	_ =	shalt  }
0x48: {  	_ =	shalt  }
0x49: {  	_ =	shalt  }
0x4a: {  	_ =	shalt  }
0x4b: {  	_ =	shalt  }
0x4c: {  	_ =	shalt  }
0x4d: {  	_ =	shalt  }
0x4e: {  	_ =	shalt  }
0x4f: {  	_ =	shalt  }
0x50: {  	_ =	shalt  }
0x51: {  	_ =	shalt  }
0x52: {  	_ =	shalt  }
0x53: {  	_ =	shalt  }
0x54: {  	_ =	shalt  }
0x55: {  	_ =	shalt  }
0x56: {  	_ =	shalt  }
0x57: {  	_ =	shalt  }
0x58: {  	_ =	shalt  }
0x59: {  	_ =	shalt  }
0x5a: {  	_ =	shalt  }
0x5b: {  	_ =	shalt  }
0x5c: {  	_ =	shalt  }
0x5d: {  	_ =	shalt  }
0x5e: {  	_ =	shalt  }
0x5f: {  	_ =	shalt  }
0x60: {  	_ =	shalt  }
0x61: {  	_ =	shalt  }
0x62: {  	_ =	shalt  }
0x63: {  	_ =	shalt  }
0x64: {  	_ =	shalt  }
0x65: {  	_ =	shalt  }
0x66: {  	_ =	shalt  }
0x67: {  	_ =	shalt  }
0x68: {  	_ =	shalt  }
0x69: {  	_ =	shalt  }
0x6a: {  	_ =	shalt  }
0x6b: {  	_ =	shalt  }
0x6c: {  	_ =	shalt  }
0x6d: {  	_ =	shalt  }
0x6e: {  	_ =	shalt  }
0x6f: {  	_ =	shalt  }
0x70: {  	_ =	shalt  }
0x71: {  	_ =	shalt  }
0x72: {  	_ =	shalt  }
0x73: {  	_ =	shalt  }
0x74: {  	_ =	shalt  }
0x75: {  	_ =	shalt  }
0x76: {  	_ =	shalt  }
0x77: {  	_ =	shalt  }
0x78: {  	_ =	shalt  }
0x79: {  	_ =	shalt  }
0x7a: {  	_ =	shalt  }
0x7b: {  	_ =	shalt  }
0x7c: {  	_ =	shalt  }
0x7d: {  	_ =	shalt  }
0x7e: {  	_ =	shalt  }
0x7f: {  	_ =	shalt  }
0x80: {  	_ =	shalt  }
0x81: {  	_ =	shalt  }
0x82: {  	_ =	shalt  }
0x83: {  	_ =	shalt  }
0x84: {  	_ =	shalt  }
0x85: {  	_ =	shalt  }
0x86: {  	_ =	shalt  }
0x87: {  	_ =	shalt  }
.Lfunc_end0:
.L_simem_size_0:
called_computation_lowered:
.L_overlay_start_0:
0x88: {  	s2 =	sld [smem:$0x3FD9]  }
0x89: {  	s3 =	sld [smem:$0x3FFE];
	_ =	sdelay $0x1  }
0x8a: {  	s1 =	srdreg.scid  }
0x8b: {  	s0 =	sand.u32 $0x1, s1  }
0x8c: {  	s16 =	sshll.u32 s0, $0xA;
	s2 =	sadd.s32 s3, s2  }
0x8d: {  	s2 =	sadd.s32 s2, s16  }
0x8e: {  	[smem:$0x3FBA] =	sst s2  }
0x8f: {  	_ = 	snop  }
0x90: {  	(tm) =	ssettm $0x1  }
0x91: {  	s17 =	sld [smem:$0x3FFB];
	_ =	sdelay $0x3  }
0x92: {  	_ =	strace s17  }
0x93: {  	s2 =	sld [smem:$0x3FFC];
	_ =	sdelay $0x3  }
0x94: {  	_ =	strace s2  }
0x95: {  	s2 =	sld [smem:$0x3FFD];
	_ =	sdelay $0x3  }
0x96: {  	_ =	strace s2  }
0x97: {  	_ =	strace $0x8FFFFFFF  }
0x98: {  	s18 =	sld [smem:$0x3FDB];
	_ =	sdelay $0x1  }
0x99: {  	s19 =	simm.s32 $_scs_section_size  }
0x9a: {  	s4 =	simm.s32 $_size__tile_overlayer_lowered;
	s5 =	simm.s32 $_tile_overlayer_lowered  }
0x9b: {  	s22 =	simm.s32 $0x1BFF;
	s21 =	sshll.u32 s5, $0x1;
	s2 =	sadd.s32 s19, s18  }
0x9c: {  	s6 =	simm.s32 $0x0;
	s20 =	sshll.u32 s4, $0x1;
	s4 =	sadd.s32 s21, s2  }
0x9d: {  	[timem:s6], [sflag:s22] =	dma.local [hbm:s4], s20  }
0x9e: {  	_ =	swait.ge [sflag:s22], s20  }
0x9f: {  	s3 =	ssub.s32 $0x0, s20;
	[sflag:s22] =	ssyncset.done $0x0  }
0xa0: {  	[sflag:s22] =	ssyncadd.s32 s3;
	_ =	sdelay $0x1  }
0xa1: {  	s23 =	simm.s32 $0x1B8B  }
0xa2: {  	_ =	swait.ge [sflag:s23], $0x1  }
0xa3: {  	[sflag:s23] =	ssyncset.done $0x0  }
0xa4: {  	s25 =	simm.s32 $0x1B8E;
	s24 =	sld [smem:$0x3FFE];
	[sflag:s23] =	ssyncadd.s32 $0xFFFFFFFF  }
0xa5: {  	s26 =	simm.s32 $execute0_lowered;
	[smem:$0x3FD2] =	sst s25  }
0xa6: {  	s4 =	sshll.u32 s26, $0x1;
	_ =	strace $0x80000046;
	[dreg:$0x1] =	wrdreg $0xFFFFFFFF  }
0xa7: {  	s28 =	simm.s32 $_size_execute0_lowered;
	s2 =	sadd.s32 s2, s4;
	[dreg:$0x0] =	wrdreg $0x0  }
0xa8: {  	s4 =	sshll.u32 s28, $0x1;
	[dreg:$0x2] =	wrdreg s2  }
0xa9: {  	[dreg:$0x3] =	wrdreg s4  }
0xaa: {  	[dreg:$0x4] =	wrdreg $0xC0  }
0xab: {  	_ =	task [dreg:s6], $0x5FFFF  }
0xac: {  	[dreg:$0x1] =	wrdreg $0xFFFFFFFF  }
0xad: {  	[dreg:$0x0] =	wrdreg $0x60  }
0xae: {  	[dreg:$0x2] =	wrdreg s24  }
0xaf: {  	[dreg:$0x3] =	wrdreg $0xB2200  }
0xb0: {  	[dreg:$0x4] =	wrdreg $0x152200  }
0xb1: {  	[dreg:$0x5] =	wrdreg $0x9  }
0xb2: {  	_ =	task.clear_ibuf [dreg:s6], $0x6FFFF;
	_ =	strace $0x90000046  }
0xb3: {  	s29 =	simm.s32 $0x9;
	_ =	strace $0x80000048  }
0xb4: {  	_ =	swait.ge [sflag:s29], $0x1  }
0xb5: {  	[sflag:s29] =	ssyncadd.s32 $0xFFFFFFFF  }
0xb6: {  	_ =	strace $0x90000048  }
0xb7: {  	_ =	sfence  }
0xb8: {  	s30 =	sld [smem:$0x0];
	_ =	sdelay $0x2  }
0xb9: {  	s31 =	sshll.u32 s1, $0xD;
	s1 =	sshrl.u32 s1, $0x2  }
0xba: {  	s3 =	sand.u32 $0x4000, s31;
	s1 =	sadd.s32 s1, s30  }
0xbb: {  	s0 =	sor.u32 s3, s0;
	s1 =	sshll.u32 s1, $0x11  }
0xbc: {  	s0 =	sor.u32 s1, s0  }
0xbd: {  	s0 =	sadd.s32 $0x8F2B, s0  }
0xbe: {  	[sflag:s0] =	ssyncadd.remote.s32 $0x1  }
0xbf: {  	_ =	sfence.sel $0xFFFF  }
0xc0: {  	[dreg:$0x0] =	wrdreg $0xFFFFFFFF;
	(pc) =	sbr.abs _section_cstart, $3  }
0xc1: {  	[dreg:$0x1] =	wrdreg $0xFFFFFFFF  }
0xc2: {  	_ =	task.clear_ibuf [dreg:s6], $0x2FFFF;
	_ =	strace $0x9FFFFFFF  }
0xc3: {  	(tm) =	ssettm $0x7FFFFFFF  }
tec
execute0_lowered:
.L_overlay_start_1:
0x0: {  	(tag) =	ssettag $0x1  }
0x1: {  	s0 =	rddreg [dreg:$0x0]  }
0x2: {  	s1 =	rddreg [dreg:$0x1]  }
0x3: {  	s3 =	rddreg [dreg:$0x2]  }
0x4: {  	s2 =	srdreg.scid;
	s4 =	simm.s32 $0x0;
	s11 =	stileid.u32  }
0x5: {  	s13 =	simm.s32 $0x9;
	s15 =	simm.s32 $0x2710;
	s16 =	simm.s32 $0x60  }
0x6: {  	s17 =	simm.s32 $0x4E20;
	s18 =	simm.s32 $0x6620;
	s20 =	simm.s32 $0x7E20  }
0x7: {  	s21 =	simm.s32 $0x1;
	s29 =	simm.s32 $0x3;
	s31 =	simm.s32 $0x6  }
0x8: {  	s22 =	simm.s32 $0x7;
	s28 =	simm.s32 $0x10;
	s30 =	simm.s32 $0x0  }
0x9: {  	s2 =	sand.u32 $0x1, s2;
	[smem:$0x7FF] =	sst s4;
	s5 =	smul.u32 $0xA000, s11  }
0xa: {  	s7 =	smul.u32 $0x14000, s11;
	s25 =	sshll.u32 s11, $0x6;
	s6 =	sshll.u32 s2, $0x4  }
0xb: {  	_ =	strace $0x80000047;
	s9 =	sshll.u32 s2, $0x6;
	s2 =	ssub.s32 $0x2, s2  }
0xc: {  	s6 =	sor.u32 s11, s6;
	s8 =	sshrl.u32 s5, $0x3;
	s7 =	sor.u32 s9, s7  }
0xd: {  	s23 =	sshrl.u32 s2, $0x1;
	s12 =	sadd.s32 s5, s1;
	s5 =	sadd.s32 s5, s3  }
0xe: {  	s6 =	smul.u32 $0x2710, s6;
	s8 =	sadd.s32 s8, s0;
	s7 =	sshrl.u32 s7, $0x3  }
0xf: {  	s2 =	ssub.s32 s2, s23;
	s12 =	sshrl.u32 s12, $0x3;
	s14 =	sshrl.u32 s5, $0x3  }
0x10: {  	s23 =	simm.s32 $0x9620;
	s24 =	sadd.s32 $0x29A00, s8;
	s26 =	sadd.s32 $0x2000, s8  }
0x11: {  	s11 =	smax.u32 s2, $0x1;
	s2 =	simm.s32 $0x4;
	[dreg:$0x4] =	wrdreg s24  }
0x12: {  	s6 =	sshrl.u32 s6, $0x3;
	[dreg:$0x5] =	wrdreg s26;
	s24 =	simm.s32 $0x2  }
0x13: {  	s26 =	simm.s32 $0x5;
	s10 =	sadd.s32 s6, s0;
	s0 =	sadd.s32 s7, s0  }
0x14: {  	s6 =	sor.u32 $0x1C09, s25;
	s25 =	simm.s32 $0x8;
	s8 =	sadd.s32 $0x16000, s10  }
0x15: {  	s9 =	sadd.s32 $0x1FC40, s10;
	s10 =	sadd.s32 $0x3DA00, s0;
	s0 =	simm.s32 $0xAE20  }
.LBB2_1:
0x16: {  	s5 =	rddreg [dreg:$0x4]  }
0x17: {  	[spmem:s12], [sflag:s6] =	dma.local [hbm:s5], $0x1400  }
0x18: {  	_ =	swait.ge [sflag:s13], $0x1400  }
0x19: {  	[sflag:s13] =	ssyncset.done $0x0  }
0x1a: {  	s19 =	rddreg [dreg:$0x5];
	[sflag:s13] =	ssyncadd.s32 $0xFFFFEC00  }
0x1b: {  	[spmem:s14], [sflag:s6] =	dma.local [hbm:s19], $0x1400  }
0x1c: {  	_ =	swait.ge [sflag:s13], $0x1400  }
0x1d: {  	[sflag:s13] =	ssyncset.done $0x0  }
0x1e: {  	[sflag:s13] =	ssyncadd.s32 $0xFFFFEC00  }
0x1f: {  	[tilespmem:s4], [sflag:$0x9] =	stream.linear.gather [hbm4b:s8+s4], $0x2710, $0x38;
	[tilespmem:$0x1F220] =	vst v63  }
0x20: {  	_ =	swait.ge [sflag:s13], $0x2710  }
0x21: {  	[sflag:s13] =	ssyncset.done $0x0  }
0x22: {  	[sflag:s13] =	ssyncadd.s32 $0xFFFFD8F0  }
0x23: {  	[tilespmem:s15], [sflag:$0x9] =	stream.linear.gather [hbm4b:s9+s4], $0x2710, $0x38;
	[tilespmem:$0x1F220] =	vst v63  }
0x24: {  	_ =	swait.ge [sflag:s13], $0x2710  }
0x25: {  	[sflag:s13] =	ssyncset.done $0x0  }
0x26: {  	[sflag:s13] =	ssyncadd.s32 $0xFFFFD8F0  }
0x27: {  	[bflag:$0x0] =	sbarrier.arrive $0xFFFF  }
0x28: {  	[tilespmem:s17], [sflag:$0x1] =	stream.indirect.gather [spmem:s3], $0x40, s4, s16, $0xb8;
	[tilespmem:$0x1F220] =	vst v63  }
0x29: {  	_ = 	snop  }
0x2a: {  	[tilespmem:s18], [sflag:$0x2] =	stream.indirect.gather [spmem:s3], $0x40, s16, s16, $0xb8;
	[tilespmem:$0x1F220] =	vst v63  }
0x2b: {  	s7 =	simm.s32 $0xC0  }
0x2c: {  	[tilespmem:s20], [sflag:$0x3] =	stream.indirect.gather [spmem:s3], $0x40, s7, s16, $0xb8;
	[tilespmem:$0x1F220] =	vst v63  }
0x2d: {  	_ =	swait.ge [sflag:s21], $0x1800  }
0x2e: {  	[sflag:s21] =	ssyncset.done $0x0  }
0x2f: {  	[sflag:s21] =	ssyncadd.s32 $0xFFFFE800  }
0x30: {  	[spmem:s1] =	stream.indirect.scatter.add.f32 [tilespmem:s17], [sflag:$0x5], $0x40, s15, s16, $0xb8;
	[tilespmem:$0x1F220] =	vst v63  }
0x31: {  	s19 =	simm.s32 $0x120  }
0x32: {  	[tilespmem:s23], [sflag:$0x4] =	stream.indirect.gather [spmem:s3], $0x40, s19, s16, $0xb8;
	[tilespmem:$0x1F220] =	vst v63  }
0x33: {  	_ =	swait.ge [sflag:s24], $0x1800  }
0x34: {  	[sflag:s24] =	ssyncset.done $0x0  }
0x35: {  	s7 =	simm.s32 $0x2770;
	[sflag:s24] =	ssyncadd.s32 $0xFFFFE800  }
0x36: {  	[spmem:s1] =	stream.indirect.scatter.add.f32 [tilespmem:s18], [sflag:$0x6], $0x40, s7, s16, $0xb8;
	[tilespmem:$0x1F220] =	vst v63  }
0x37: {  	_ =	swait.ge [sflag:s26], $0x1800  }
0x38: {  	[sflag:s26] =	ssyncset.done $0x0  }
0x39: {  	s19 =	simm.s32 $0x180;
	[sflag:s26] =	ssyncadd.s32 $0xFFFFE800  }
0x3a: {  	[tilespmem:s17], [sflag:$0x1] =	stream.indirect.gather [spmem:s3], $0x40, s19, s16, $0xb8;
	[tilespmem:$0x1F220] =	vst v63  }
0x3b: {  	_ =	swait.ge [sflag:s29], $0x1800  }
0x3c: {  	[sflag:s29] =	ssyncset.done $0x0  }
0x3d: {  	s7 =	simm.s32 $0x27D0;
	[sflag:s29] =	ssyncadd.s32 $0xFFFFE800  }
0x3e: {  	[spmem:s1] =	stream.indirect.scatter.add.f32 [tilespmem:s20], [sflag:$0x7], $0x40, s7, s16, $0xb8;
	[tilespmem:$0x1F220] =	vst v63  }
0x3f: {  	_ =	swait.ge [sflag:s31], $0x1800  }
0x40: {  	[sflag:s31] =	ssyncset.done $0x0  }
0x41: {  	s19 =	simm.s32 $0x1E0;
	[sflag:s31] =	ssyncadd.s32 $0xFFFFE800  }
0x42: {  	[tilespmem:s18], [sflag:$0x2] =	stream.indirect.gather [spmem:s3], $0x40, s19, s16, $0xb8;
	[tilespmem:$0x1F220] =	vst v63  }
0x43: {  	_ =	swait.ge [sflag:s2], $0x1800  }
0x44: {  	[sflag:s2] =	ssyncset.done $0x0  }
0x45: {  	s7 =	simm.s32 $0x2830;
	[sflag:s2] =	ssyncadd.s32 $0xFFFFE800  }
0x46: {  	[spmem:s1] =	stream.indirect.scatter.add.f32 [tilespmem:s23], [sflag:$0x8], $0x40, s7, s16, $0xb8;
	[tilespmem:$0x1F220] =	vst v63  }
0x47: {  	_ =	swait.ge [sflag:s22], $0x1800  }
0x48: {  	[sflag:s22] =	ssyncset.done $0x0  }
0x49: {  	s19 =	simm.s32 $0x240;
	[sflag:s22] =	ssyncadd.s32 $0xFFFFE800  }
0x4a: {  	[tilespmem:s20], [sflag:$0x3] =	stream.indirect.gather [spmem:s3], $0x40, s19, s16, $0xb8;
	[tilespmem:$0x1F220] =	vst v63  }
0x4b: {  	_ =	swait.ge [sflag:s21], $0x1800  }
0x4c: {  	[sflag:s21] =	ssyncset.done $0x0  }
0x4d: {  	s7 =	simm.s32 $0x2890;
	[sflag:s21] =	ssyncadd.s32 $0xFFFFE800  }
0x4e: {  	[spmem:s1] =	stream.indirect.scatter.add.f32 [tilespmem:s17], [sflag:$0x5], $0x40, s7, s16, $0xb8;
	[tilespmem:$0x1F220] =	vst v63  }
0x4f: {  	_ =	swait.ge [sflag:s25], $0x1800  }
0x50: {  	[sflag:s25] =	ssyncset.done $0x0  }
0x51: {  	s19 =	simm.s32 $0x2A0;
	[sflag:s25] =	ssyncadd.s32 $0xFFFFE800  }
0x52: {  	[tilespmem:s23], [sflag:$0x4] =	stream.indirect.gather [spmem:s3], $0x40, s19, s16, $0xb8;
	[tilespmem:$0x1F220] =	vst v63  }
0x53: {  	_ =	swait.ge [sflag:s24], $0x1800  }
0x54: {  	[sflag:s24] =	ssyncset.done $0x0  }
0x55: {  	s7 =	simm.s32 $0x28F0;
	[sflag:s24] =	ssyncadd.s32 $0xFFFFE800  }
0x56: {  	[spmem:s1] =	stream.indirect.scatter.add.f32 [tilespmem:s18], [sflag:$0x6], $0x40, s7, s16, $0xb8;
	[tilespmem:$0x1F220] =	vst v63  }
0x57: {  	_ =	swait.ge [sflag:s26], $0x1800  }
0x58: {  	[sflag:s26] =	ssyncset.done $0x0  }
0x59: {  	s19 =	simm.s32 $0x300;
	[sflag:s26] =	ssyncadd.s32 $0xFFFFE800  }
0x5a: {  	[tilespmem:s17], [sflag:$0x1] =	stream.indirect.gather [spmem:s3], $0x40, s19, s16, $0xb8;
	[tilespmem:$0x1F220] =	vst v63  }
0x5b: {  	_ =	swait.ge [sflag:s29], $0x1800  }
0x5c: {  	[sflag:s29] =	ssyncset.done $0x0  }
0x5d: {  	s7 =	simm.s32 $0x2950;
	[sflag:s29] =	ssyncadd.s32 $0xFFFFE800  }
0x5e: {  	[spmem:s1] =	stream.indirect.scatter.add.f32 [tilespmem:s20], [sflag:$0x7], $0x40, s7, s16, $0xb8;
	[tilespmem:$0x1F220] =	vst v63  }
0x5f: {  	_ =	swait.ge [sflag:s31], $0x1800  }
0x60: {  	[sflag:s31] =	ssyncset.done $0x0  }
0x61: {  	s19 =	simm.s32 $0x360;
	[sflag:s31] =	ssyncadd.s32 $0xFFFFE800  }
0x62: {  	[tilespmem:s18], [sflag:$0x2] =	stream.indirect.gather [spmem:s3], $0x40, s19, s16, $0xb8;
	[tilespmem:$0x1F220] =	vst v63  }
0x63: {  	_ =	swait.ge [sflag:s2], $0x1800  }
0x64: {  	[sflag:s2] =	ssyncset.done $0x0  }
0x65: {  	s5 =	simm.s32 $0x29B0;
	s19 =	simm.s32 $0x600;
	[sflag:s2] =	ssyncadd.s32 $0xFFFFE800  }
.LBB2_2:
0x66: {  	[spmem:s1] =	stream.indirect.scatter.add.f32 [tilespmem:s23], [sflag:$0x8], $0x40, s5, s16, $0xb8;
	[tilespmem:$0x1F220] =	vst v63  }
0x67: {  	s5 =	smov.u32 s19;
	s19 =	sadd.s32 $0x600, s19;
	_ =	swait.ge [sflag:s22], $0x1800  }
0x68: {  	s5 =	sshra.s32 s5, $0x2;
	p0 =	sne.s32 s19, $0x9000;
	[sflag:s22] =	ssyncset.done $0x0  }
0x69: {  	s7 =	sadd.s32 $0x240, s5;
	[sflag:s22] =	ssyncadd.s32 $0xFFFFE800  }
0x6a: {  	[tilespmem:s20], [sflag:$0x3] =	stream.indirect.gather [spmem:s3], $0x40, s7, s16, $0xb8;
	[tilespmem:$0x1F220] =	vst v63  }
0x6b: {  	_ =	swait.ge [sflag:s21], $0x1800  }
0x6c: {  	[sflag:s21] =	ssyncset.done $0x0  }
0x6d: {  	s7 =	sadd.s32 $0x2890, s5;
	[sflag:s21] =	ssyncadd.s32 $0xFFFFE800  }
0x6e: {  	[spmem:s1] =	stream.indirect.scatter.add.f32 [tilespmem:s17], [sflag:$0x5], $0x40, s7, s16, $0xb8;
	[tilespmem:$0x1F220] =	vst v63  }
0x6f: {  	_ =	swait.ge [sflag:s25], $0x1800  }
0x70: {  	[sflag:s25] =	ssyncset.done $0x0  }
0x71: {  	s7 =	sadd.s32 $0x2A0, s5;
	[sflag:s25] =	ssyncadd.s32 $0xFFFFE800  }
0x72: {  	[tilespmem:s23], [sflag:$0x4] =	stream.indirect.gather [spmem:s3], $0x40, s7, s16, $0xb8;
	[tilespmem:$0x1F220] =	vst v63  }
0x73: {  	_ =	swait.ge [sflag:s24], $0x1800  }
0x74: {  	[sflag:s24] =	ssyncset.done $0x0  }
0x75: {  	s7 =	sadd.s32 $0x28F0, s5;
	[sflag:s24] =	ssyncadd.s32 $0xFFFFE800  }
0x76: {  	[spmem:s1] =	stream.indirect.scatter.add.f32 [tilespmem:s18], [sflag:$0x6], $0x40, s7, s16, $0xb8;
	[tilespmem:$0x1F220] =	vst v63  }
0x77: {  	_ =	swait.ge [sflag:s26], $0x1800  }
0x78: {  	[sflag:s26] =	ssyncset.done $0x0  }
0x79: {  	s7 =	sadd.s32 $0x300, s5;
	[sflag:s26] =	ssyncadd.s32 $0xFFFFE800  }
0x7a: {  	[tilespmem:s17], [sflag:$0x1] =	stream.indirect.gather [spmem:s3], $0x40, s7, s16, $0xb8;
	[tilespmem:$0x1F220] =	vst v63  }
0x7b: {  	_ =	swait.ge [sflag:s29], $0x1800  }
0x7c: {  	[sflag:s29] =	ssyncset.done $0x0  }
0x7d: {  	s7 =	sadd.s32 $0x2950, s5;
	[sflag:s29] =	ssyncadd.s32 $0xFFFFE800  }
0x7e: {  	[spmem:s1] =	stream.indirect.scatter.add.f32 [tilespmem:s20], [sflag:$0x7], $0x40, s7, s16, $0xb8;
	[tilespmem:$0x1F220] =	vst v63  }
0x7f: {  	_ =	swait.ge [sflag:s31], $0x1800  }
0x80: {  	[sflag:s31] =	ssyncset.done $0x0  }
.Ltmp0:
0x81: {  	s7 =	sadd.s32 $0x360, s5;
	[sflag:s31] =	ssyncadd.s32 $0xFFFFE800;
	(pc) =	sbr.rel @p0 .LBB2_2-.Ltmp0, $4  }
0x82: {  	[tilespmem:s18], [sflag:$0x2] =	stream.indirect.gather [spmem:s3], $0x40, s7, s16, $0xb8;
	[tilespmem:$0x1F220] =	vst v63  }
0x83: {  	_ =	swait.ge [sflag:s2], $0x1800  }
0x84: {  	[sflag:s2] =	ssyncset.done $0x0  }
0x85: {  	s5 =	sadd.s32 $0x29B0, s5;
	[sflag:s2] =	ssyncadd.s32 $0xFFFFE800  }
0x86: {  	[spmem:s1] =	stream.indirect.scatter.add.f32 [tilespmem:s23], [sflag:$0x8], $0x40, s5, s16, $0xb8;
	[tilespmem:$0x1F220] =	vst v63  }
0x87: {  	_ =	swait.ge [sflag:s22], $0x1800  }
0x88: {  	s5 =	sshra.s32 s19, $0x2;
	[sflag:s22] =	ssyncset.done $0x0  }
0x89: {  	s7 =	sadd.s32 $0x240, s5;
	[sflag:s22] =	ssyncadd.s32 $0xFFFFE800  }
0x8a: {  	[tilespmem:s20], [sflag:$0x3] =	stream.indirect.gather [spmem:s3], $0x40, s7, s16, $0xb8;
	[tilespmem:$0x1F220] =	vst v63  }
0x8b: {  	_ =	swait.ge [sflag:s21], $0x1800  }
0x8c: {  	[sflag:s21] =	ssyncset.done $0x0  }
0x8d: {  	s19 =	sadd.s32 $0x2890, s5;
	[sflag:s21] =	ssyncadd.s32 $0xFFFFE800  }
0x8e: {  	[spmem:s1] =	stream.indirect.scatter.add.f32 [tilespmem:s17], [sflag:$0x5], $0x40, s19, s16, $0xb8;
	[tilespmem:$0x1F220] =	vst v63  }
0x8f: {  	_ =	swait.ge [sflag:s25], $0x1800  }
0x90: {  	[sflag:s25] =	ssyncset.done $0x0  }
0x91: {  	s19 =	sadd.s32 $0x2A0, s5;
	[sflag:s25] =	ssyncadd.s32 $0xFFFFE800  }
0x92: {  	[tilespmem:s23], [sflag:$0x4] =	stream.indirect.gather [spmem:s3], $0x40, s19, s16, $0xb8;
	[tilespmem:$0x1F220] =	vst v63  }
0x93: {  	_ =	swait.ge [sflag:s24], $0x1800  }
0x94: {  	[sflag:s24] =	ssyncset.done $0x0  }
0x95: {  	s19 =	sadd.s32 $0x28F0, s5;
	[sflag:s24] =	ssyncadd.s32 $0xFFFFE800  }
0x96: {  	[spmem:s1] =	stream.indirect.scatter.add.f32 [tilespmem:s18], [sflag:$0x6], $0x40, s19, s16, $0xb8;
	[tilespmem:$0x1F220] =	vst v63  }
0x97: {  	_ =	swait.ge [sflag:s26], $0x1800  }
0x98: {  	[sflag:s26] =	ssyncset.done $0x0  }
0x99: {  	[sflag:s26] =	ssyncadd.s32 $0xFFFFE800  }
0x9a: {  	_ =	swait.ge [sflag:s29], $0x1800  }
0x9b: {  	[sflag:s29] =	ssyncset.done $0x0  }
0x9c: {  	s19 =	sadd.s32 $0x2950, s5;
	[sflag:s29] =	ssyncadd.s32 $0xFFFFE800  }
0x9d: {  	[spmem:s1] =	stream.indirect.scatter.add.f32 [tilespmem:s20], [sflag:$0x7], $0x40, s19, s16, $0xb8;
	[tilespmem:$0x1F220] =	vst v63  }
0x9e: {  	_ =	swait.ge [sflag:s31], $0x1800  }
0x9f: {  	[sflag:s31] =	ssyncset.done $0x0  }
0xa0: {  	[sflag:s31] =	ssyncadd.s32 $0xFFFFE800  }
0xa1: {  	_ =	swait.ge [sflag:s2], $0x1800  }
0xa2: {  	[sflag:s2] =	ssyncset.done $0x0  }
0xa3: {  	s5 =	sadd.s32 $0x29B0, s5;
	[sflag:s2] =	ssyncadd.s32 $0xFFFFE800  }
0xa4: {  	[spmem:s1] =	stream.indirect.scatter.add.f32 [tilespmem:s23], [sflag:$0x8], $0x40, s5, s16, $0xb8;
	[tilespmem:$0x1F220] =	vst v63  }
0xa5: {  	_ =	swait.ge [sflag:s22], $0x1800  }
0xa6: {  	[sflag:s22] =	ssyncset.done $0x0  }
0xa7: {  	[sflag:s22] =	ssyncadd.s32 $0xFFFFE800  }
0xa8: {  	_ =	swait.ge [sflag:s25], $0x1800  }
0xa9: {  	[sflag:s25] =	ssyncset.done $0x0  }
0xaa: {  	s7 =	simm.s32 $0x2700;
	[sflag:s25] =	ssyncadd.s32 $0xFFFFE800  }
0xab: {  	[tilespmem:s0], [sflag:$0x1] =	stream.indirect.gather [spmem:s3], $0x40, s7, s28, $0xb8;
	[tilespmem:$0x1F220] =	vst v63  }
0xac: {  	_ =	swait.ge [sflag:s21], $0x400  }
0xad: {  	[sflag:s21] =	ssyncset.done $0x0  }
0xae: {  	s19 =	simm.s32 $0x4E10;
	[sflag:s21] =	ssyncadd.s32 $0xFFFFFC00  }
0xaf: {  	[spmem:s1] =	stream.indirect.scatter.add.f32 [tilespmem:s0], [sflag:$0x9], $0x40, s19, s28, $0xb8;
	[tilespmem:$0x1F220] =	vst v63  }
0xb0: {  	_ =	swait.ge [sflag:s13], $0x400  }
0xb1: {  	s30 =	sadd.s32 $0x1, s30;
	[sflag:s13] =	ssyncset.done $0x0  }
0xb2: {  	p0 =	sne.s32 s30, s11;
	[sflag:s13] =	ssyncadd.s32 $0xFFFFFC00  }
.Ltmp1:
0xb3: {  	[bflag:$0x0] =	sbarrier.arrive $0xFFFF;
	(pc) =	sbr.rel @p0 .LBB2_1-.Ltmp1, $4  }
0xb4: {  	[hbm:s10@s28], [sflag:s6] =	dma.strided [spmem:s12@s25], $0x1400, s21, $0x8   }
0xb5: {  	_ =	swait.ge [sflag:s13], $0x1400  }
0xb6: {  	[sflag:s13] =	ssyncset.done $0x0  }
0xb7: {  	[sflag:s13] =	ssyncadd.s32 $0xFFFFEC00  }
0xb8: {  	_ =	sfence.sel $0x180000  }
0xb9: {  	[bflag:$0x0] =	sbarrier.arrive $0xFFFF  }
0xba: {  	_ =	strace $0x90000047  }
0xbb: {  	s0 =	stileid.u32;
	[bflag:$0x2] =	sbarrier.arrive $0xFFFF  }
0xbc: {  	p0 =	sne.s32 s0, $0x0;
	s0 =	rddreg [dreg:$0x3]  }
0xbd: {  	s0 =	sadd.s32 @!p0 $0x100000, s0  }
0xbe: {  	[sflag:s0] =	ssyncadd.tile.s32 @!p0 $0x1;
	_ =	shalt  }
.Lfunc_end2:
_tile_overlayer_lowered:
.L_overlay_start_2:
0xbf: {  	(tag) =	ssettag $0x2  }
0xc0: {  	s0 =	rddreg [dreg:$0x0];
	s2 =	stileid.u32  }
0xc1: {  	s1 =	rddreg [dreg:$0x1];
	p0 =	sne.s32 s2, $0x0  }
0xc2: {  	s3 =	rddreg [dreg:$0x2];
	[bflag:$0x3] =	sbarrier.arrive $0xFFFF;
	s2 =	simm.s32 @!p0 $0x1C09  }
0xc3: {  	[timem:s3], [sflag:s2] =	dma.local @!p0 [hbm:s0], s1  }
0xc4: {  	s0 =	simm.s32 @!p0 $0x9  }
0xc5: {  	_ =	swait.ge @!p0 [sflag:s0], s1  }
0xc6: {  	s1 =	ssub.s32 @!p0 $0x0, s1;
	[sflag:s0] =	ssyncset.done @!p0 $0x0  }
0xc7: {  	[sflag:s0] =	ssyncadd.s32 @!p0 s1  }
0xc8: {  	[bflag:$0x3] =	sbarrier.arrive $0xFFFF  }
0xc9: {  	_ =	shalt  }

</sc_bundles>
